<compile_context>
chip_gen: v7x
topology: tpu7x:2x2x1
jax: 0.10.2.dev20260603
libtpu: 0.0.44.dev20260713+nightly
codegen_flags: <defaults>
</compile_context>

<pallas_src>
import functools

import jax
import jax.numpy as jnp
from jax import lax
from jax.experimental import pallas as pl
from jax.experimental.pallas import tpu as pltpu
from jax.experimental.pallas import tpu_sc as plsc

N_ROWS = 100000
EMBED = 16
INPUT = 14
OUTPUT = 1
BATCH = 16384

_info = plsc.get_sparse_core_info()
_NC, _NS = _info.num_cores, _info.num_subcores
_NW = _NC * _NS
_B_PER_W = BATCH // _NW

_CW = 6400
_NCHUNK = 16
_ALIGNED = 99968
_TAIL_BLK = 781
_T_PAD = _CW * _NCHUNK


def _wcol(w_ref, offset, n):
    k = lax.broadcasted_iota(jnp.int32, (n, 1), 0)
    col = jnp.zeros((n, 1), jnp.float32)
    for i in range(n):
        col = jnp.where(k == i, w_ref[0, offset + i], col)
    return col


def _chunk_w(i):
    return min(_CW, _ALIGNED - i * _CW)


def _tc_table_body(tt_hbm, w_ref, b_ref, ttail_ref, t_ref, bufs, sems):
    wecol = _wcol(w_ref, INPUT, EMBED)

    def copy(i):
        w = _chunk_w(i)
        return pltpu.make_async_copy(
            tt_hbm.at[:, pl.ds(i * _CW, w)],
            bufs.at[i % _NBUF, :, pl.ds(0, w)],
            sems.at[i % _NBUF],
        )

    for i in range(_NBUF):
        copy(i).start()
    for i in range(_NCHUNK):
        copy(i).wait()
        if i + _NBUF < _NCHUNK:
            copy(i + _NBUF).start()
        v = bufs[i % _NBUF]
        t_ref[pl.ds(i * _CW, _CW)] = jnp.sum(v * wecol, axis=0) + b_ref[0]
    t_ref[pl.ds(_ALIGNED, 128)] = jnp.sum(ttail_ref[...] * wecol, axis=0) + b_ref[0]


_NBUF = 16


def _tc_table(tableT, WT, b):
    return pl.pallas_call(
        _tc_table_body,
        grid=(1,),
        in_specs=[
            pl.BlockSpec(memory_space=pl.ANY),
            pl.BlockSpec(memory_space=pltpu.SMEM),
            pl.BlockSpec(memory_space=pltpu.SMEM),
            pl.BlockSpec((EMBED, 128), lambda i: (0, _TAIL_BLK)),
        ],
        out_specs=pl.BlockSpec((_T_PAD,), lambda i: (0,)),
        out_shape=jax.ShapeDtypeStruct((_T_PAD,), jnp.float32),
        scratch_shapes=[
            pltpu.VMEM((_NBUF, EMBED, _CW), jnp.float32),
            pltpu.SemaphoreType.DMA((_NBUF,)),
        ],
    )(tableT, WT, b, tableT)


def _tc_x_body(xt_ref, w_ref, xw_ref):
    wxcol = _wcol(w_ref, 0, INPUT)
    xw_ref[...] = jnp.sum(xt_ref[...] * wxcol, axis=0)


def _tc_x(xT, WT):
    return pl.pallas_call(
        _tc_x_body,
        in_specs=[
            pl.BlockSpec((INPUT, BATCH), lambda: (0, 0)),
            pl.BlockSpec(memory_space=pltpu.SMEM),
        ],
        out_specs=pl.BlockSpec((BATCH,), lambda: (0,)),
        out_shape=jax.ShapeDtypeStruct((BATCH,), jnp.float32),
    )(xT, WT)


def _sc_body(t_hbm, c_hbm, out_hbm, idx_v, tg_v, sems):
    wid = lax.axis_index("s") * _NC + lax.axis_index("c")
    base = wid * _B_PER_W
    pltpu.sync_copy(c_hbm.at[pl.ds(base, _B_PER_W)], idx_v)
    q = _B_PER_W // 4
    copies = [
        pltpu.async_copy(
            t_hbm.at[idx_v.at[pl.ds(j * q, q)]],
            tg_v.at[pl.ds(j * q, q)],
            sems.at[j],
        )
        for j in range(4)
    ]
    for cp in copies:
        cp.wait()
    pltpu.sync_copy(tg_v, out_hbm.at[pl.ds(base, _B_PER_W)])


_sc_gather = pl.kernel(
    _sc_body,
    out_type=jax.ShapeDtypeStruct((BATCH,), jnp.float32),
    mesh=plsc.VectorSubcoreMesh(core_axis_name="c", subcore_axis_name="s"),
    scratch_types=[
        pltpu.VMEM((_B_PER_W,), jnp.int32),
        pltpu.VMEM((_B_PER_W,), jnp.float32),
        pltpu.SemaphoreType.DMA((4,)),
    ],
    compiler_params=pltpu.CompilerParams(use_tc_tiling_on_sc=False),
)


def _tc_add_body(a_ref, b_ref, o_ref):
    o_ref[...] = a_ref[...] + b_ref[...]


def _tc_add(a, b2):
    return pl.pallas_call(
        _tc_add_body,
        out_shape=jax.ShapeDtypeStruct((BATCH,), jnp.float32),
    )(a, b2)


@jax.jit
def kernel(x, c, table, W, b):
    tableT = table.T
    xT = x.T
    WT = W.T
    t = _tc_table(tableT, WT, b)
    tg = _sc_gather(t, c.astype(jnp.int32))
    xw = _tc_x(xT, WT)
    out = _tc_add(tg, xw)
    return out.reshape(BATCH, OUTPUT)

# --- scband reference (transcript-rebuilt; emitter-appended) ---
"""Pipeline reference for scband-linear-regression-with-embedding-and-features-18700287607608 (READ-ONLY COPY).

The authoritative reference and input builder live on the scoring server;
editing this copy changes nothing except your own understanding.
"""

import jax, jax.numpy as jnp
import numpy as np

N_LANDCOVERS = 100000
EMBED = 16
INPUT = 14
OUTPUT = 1
BATCH = 16384


def setup_inputs(seed: int = 0) -> dict:
    key = jax.random.key(seed)
    k1, k2, k3, k4 = jax.random.split(key, 4)
    x = jax.random.normal(k1, (BATCH, INPUT), dtype=jnp.float32)
    c = jax.random.randint(k2, (BATCH,), 0, N_LANDCOVERS, dtype=jnp.int64 if jax.config.jax_enable_x64 else jnp.int32)
    table = jax.random.normal(k3, (N_LANDCOVERS, EMBED), dtype=jnp.float32) * 0.02
    W = jax.random.normal(k4, (EMBED + INPUT, OUTPUT), dtype=jnp.float32) * 0.1
    b = jnp.zeros((OUTPUT,), dtype=jnp.float32)
    return {"x": x, "c": c, "table": table, "W": W, "b": b}


def reference(x, c, table, W, b):
    # emb = self.landcover_embedding(c)
    emb = jnp.take(table, c, axis=0)
    # x = torch.cat([x.to(float32), emb], dim=1)
    xc = jnp.concatenate([x.astype(jnp.float32), emb], axis=1)
    # return self.linear(x)
    return xc @ W + b

if __name__ == "__main__":
    import jax
    _d = setup_inputs()
    print(jax.jit(kernel)(*tuple(_d.values())))

</pallas_src>

<mosaic_0001>
#map = affine_map<(d0, d1) -> (0)>
module attributes {stable_mosaic.version = 14 : i64} {
  func.func @_sc_body(%arg0: i32, %arg1: i32, %arg2: memref<102400xf32, #tpu.memory_space<hbm>>, %arg3: memref<16384xi32, #tpu.memory_space<hbm>>, %arg4: memref<16384xf32, #tpu.memory_space<hbm>>, %arg5: memref<512xi32, #tpu.memory_space<vmem>>, %arg6: memref<512xf32, #tpu.memory_space<vmem>>, %arg7: memref<4x!tpu.dma_semaphore, #tpu.memory_space<semaphore_mem>>) attributes {dimension_semantics = [#tpu.dimension_semantics<core_parallel>, #tpu.dimension_semantics<subcore_parallel>], iteration_bounds = array<i64: 2, 16>, scalar_prefetch = 0 : i64, scratch_operands = 3 : i64, tpu.core_type = #tpu.core_type<sc_vector_subcore>, window_params = [{transform_indices = #map}, {transform_indices = #map}, {transform_indices = #map}]} {
    %mul3A = arith.constant 2 : i32
    %mul3A_0 = arith.muli %arg1, %mul3A : i32
    %add3A = arith.addi %mul3A_0, %arg0 : i32
    %mul3A_1 = arith.constant 512 : i32
    %mul3A_2 = arith.muli %add3A, %mul3A_1 : i32
    "tpu.region"() ({
      %run_scoped3A = tpu.sem_alloc : memref<!tpu.dma_semaphore, #tpu.memory_space<semaphore_mem>>
      %dma_start3A_73 = tpu.memref_slice %arg3[%mul3A_2] : memref<16384xi32, #tpu.memory_space<hbm>> -> memref<512xi32, #tpu.memory_space<hbm>>
      %dma_start3A_74 = tpu.memref_slice %arg3[%mul3A_2] : memref<16384xi32, #tpu.memory_space<hbm>> -> memref<512xi32, #tpu.memory_space<hbm>>
      tpu.enqueue_dma source(%dma_start3A_74 : memref<512xi32, #tpu.memory_space<hbm>>) target(%arg5 : memref<512xi32, #tpu.memory_space<vmem>>) target_semaphore(%run_scoped3A : memref<!tpu.dma_semaphore, #tpu.memory_space<semaphore_mem>>)
      %dma_wait3A_75 = tpu.memref_slice %arg3[%mul3A_2] : memref<16384xi32, #tpu.memory_space<hbm>> -> memref<512xi32, #tpu.memory_space<hbm>>
      %dma_wait3A_76 = tpu.memref_slice %arg3[%mul3A_2] : memref<16384xi32, #tpu.memory_space<hbm>> -> memref<512xi32, #tpu.memory_space<hbm>>
      tpu.wait_dma2 semaphore(%run_scoped3A : memref<!tpu.dma_semaphore, #tpu.memory_space<semaphore_mem>>) src(%dma_wait3A_76 : memref<512xi32, #tpu.memory_space<hbm>>) dst(%arg5 : memref<512xi32, #tpu.memory_space<vmem>>)
      tpu.yield
    }) : () -> ()
    %dma_start3A = arith.constant 0 : i32
    %dma_start3A_3 = arith.constant 0 : i32
    %dma_start3A_4 = tpu.memref_slice %arg6[%dma_start3A_3] : memref<512xf32, #tpu.memory_space<vmem>> -> memref<128xf32, #tpu.memory_space<vmem>>
    %dma_start3A_5 = arith.constant 0 : i32
    %dma_start3A_6 = tpu.memref_slice %arg5[%dma_start3A_5] : memref<512xi32, #tpu.memory_space<vmem>> -> memref<128xi32, #tpu.memory_space<vmem>>
    %dma_start3A_7 = arith.constant 0 : i32
    %dma_start3A_8 = tpu.memref_slice %arg2[%dma_start3A_7] : memref<102400xf32, #tpu.memory_space<hbm>> -> memref<102400xf32, #tpu.memory_space<hbm>>
    %dma_start3A_9 = tpu.memref_slice %arg7[%dma_start3A] : memref<4x!tpu.dma_semaphore, #tpu.memory_space<semaphore_mem>> -> memref<1x!tpu.dma_semaphore, #tpu.memory_space<semaphore_mem>>
    %dma_start3A_10 = tpu.memref_squeeze %dma_start3A_9 : memref<1x!tpu.dma_semaphore, #tpu.memory_space<semaphore_mem>> -> memref<!tpu.dma_semaphore, #tpu.memory_space<semaphore_mem>>
    tpu.enqueue_indirect_dma source(%dma_start3A_8 : memref<102400xf32, #tpu.memory_space<hbm>>) target(%dma_start3A_4 : memref<128xf32, #tpu.memory_space<vmem>>) offsets(%dma_start3A_6 : memref<128xi32, #tpu.memory_space<vmem>>) semaphore(%dma_start3A_10 : memref<!tpu.dma_semaphore, #tpu.memory_space<semaphore_mem>>)
    %dma_start3A_11 = arith.constant 1 : i32
    %dma_start3A_12 = arith.constant 128 : i32
    %dma_start3A_13 = tpu.memref_slice %arg6[%dma_start3A_12] : memref<512xf32, #tpu.memory_space<vmem>> -> memref<128xf32, #tpu.memory_space<vmem>>
    %dma_start3A_14 = arith.constant 128 : i32
    %dma_start3A_15 = tpu.memref_slice %arg5[%dma_start3A_14] : memref<512xi32, #tpu.memory_space<vmem>> -> memref<128xi32, #tpu.memory_space<vmem>>
    %dma_start3A_16 = arith.constant 0 : i32
    %dma_start3A_17 = tpu.memref_slice %arg2[%dma_start3A_16] : memref<102400xf32, #tpu.memory_space<hbm>> -> memref<102400xf32, #tpu.memory_space<hbm>>
    %dma_start3A_18 = tpu.memref_slice %arg7[%dma_start3A_11] : memref<4x!tpu.dma_semaphore, #tpu.memory_space<semaphore_mem>> -> memref<1x!tpu.dma_semaphore, #tpu.memory_space<semaphore_mem>>
    %dma_start3A_19 = tpu.memref_squeeze %dma_start3A_18 : memref<1x!tpu.dma_semaphore, #tpu.memory_space<semaphore_mem>> -> memref<!tpu.dma_semaphore, #tpu.memory_space<semaphore_mem>>
    tpu.enqueue_indirect_dma source(%dma_start3A_17 : memref<102400xf32, #tpu.memory_space<hbm>>) target(%dma_start3A_13 : memref<128xf32, #tpu.memory_space<vmem>>) offsets(%dma_start3A_15 : memref<128xi32, #tpu.memory_space<vmem>>) semaphore(%dma_start3A_19 : memref<!tpu.dma_semaphore, #tpu.memory_space<semaphore_mem>>)
    %dma_start3A_20 = arith.constant 2 : i32
    %dma_start3A_21 = arith.constant 256 : i32
    %dma_start3A_22 = tpu.memref_slice %arg6[%dma_start3A_21] : memref<512xf32, #tpu.memory_space<vmem>> -> memref<128xf32, #tpu.memory_space<vmem>>
    %dma_start3A_23 = arith.constant 256 : i32
    %dma_start3A_24 = tpu.memref_slice %arg5[%dma_start3A_23] : memref<512xi32, #tpu.memory_space<vmem>> -> memref<128xi32, #tpu.memory_space<vmem>>
    %dma_start3A_25 = arith.constant 0 : i32
    %dma_start3A_26 = tpu.memref_slice %arg2[%dma_start3A_25] : memref<102400xf32, #tpu.memory_space<hbm>> -> memref<102400xf32, #tpu.memory_space<hbm>>
    %dma_start3A_27 = tpu.memref_slice %arg7[%dma_start3A_20] : memref<4x!tpu.dma_semaphore, #tpu.memory_space<semaphore_mem>> -> memref<1x!tpu.dma_semaphore, #tpu.memory_space<semaphore_mem>>
    %dma_start3A_28 = tpu.memref_squeeze %dma_start3A_27 : memref<1x!tpu.dma_semaphore, #tpu.memory_space<semaphore_mem>> -> memref<!tpu.dma_semaphore, #tpu.memory_space<semaphore_mem>>
    tpu.enqueue_indirect_dma source(%dma_start3A_26 : memref<102400xf32, #tpu.memory_space<hbm>>) target(%dma_start3A_22 : memref<128xf32, #tpu.memory_space<vmem>>) offsets(%dma_start3A_24 : memref<128xi32, #tpu.memory_space<vmem>>) semaphore(%dma_start3A_28 : memref<!tpu.dma_semaphore, #tpu.memory_space<semaphore_mem>>)
    %dma_start3A_29 = arith.constant 3 : i32
    %dma_start3A_30 = arith.constant 384 : i32
    %dma_start3A_31 = tpu.memref_slice %arg6[%dma_start3A_30] : memref<512xf32, #tpu.memory_space<vmem>> -> memref<128xf32, #tpu.memory_space<vmem>>
    %dma_start3A_32 = arith.constant 384 : i32
    %dma_start3A_33 = tpu.memref_slice %arg5[%dma_start3A_32] : memref<512xi32, #tpu.memory_space<vmem>> -> memref<128xi32, #tpu.memory_space<vmem>>
    %dma_start3A_34 = arith.constant 0 : i32
    %dma_start3A_35 = tpu.memref_slice %arg2[%dma_start3A_34] : memref<102400xf32, #tpu.memory_space<hbm>> -> memref<102400xf32, #tpu.memory_space<hbm>>
    %dma_start3A_36 = tpu.memref_slice %arg7[%dma_start3A_29] : memref<4x!tpu.dma_semaphore, #tpu.memory_space<semaphore_mem>> -> memref<1x!tpu.dma_semaphore, #tpu.memory_space<semaphore_mem>>
    %dma_start3A_37 = tpu.memref_squeeze %dma_start3A_36 : memref<1x!tpu.dma_semaphore, #tpu.memory_space<semaphore_mem>> -> memref<!tpu.dma_semaphore, #tpu.memory_space<semaphore_mem>>
    tpu.enqueue_indirect_dma source(%dma_start3A_35 : memref<102400xf32, #tpu.memory_space<hbm>>) target(%dma_start3A_31 : memref<128xf32, #tpu.memory_space<vmem>>) offsets(%dma_start3A_33 : memref<128xi32, #tpu.memory_space<vmem>>) semaphore(%dma_start3A_37 : memref<!tpu.dma_semaphore, #tpu.memory_space<semaphore_mem>>)
    %dma_wait3A = arith.constant 0 : i32
    %dma_wait3A_38 = arith.constant 0 : i32
    %dma_wait3A_39 = tpu.memref_slice %arg6[%dma_wait3A_38] : memref<512xf32, #tpu.memory_space<vmem>> -> memref<128xf32, #tpu.memory_space<vmem>>
    %dma_wait3A_40 = arith.constant 0 : i32
    %dma_wait3A_41 = tpu.memref_slice %arg5[%dma_wait3A_40] : memref<512xi32, #tpu.memory_space<vmem>> -> memref<128xi32, #tpu.memory_space<vmem>>
    %dma_wait3A_42 = arith.constant 0 : i32
    %dma_wait3A_43 = tpu.memref_slice %arg2[%dma_wait3A_42] : memref<102400xf32, #tpu.memory_space<hbm>> -> memref<102400xf32, #tpu.memory_space<hbm>>
    %dma_wait3A_44 = tpu.memref_slice %arg7[%dma_wait3A] : memref<4x!tpu.dma_semaphore, #tpu.memory_space<semaphore_mem>> -> memref<1x!tpu.dma_semaphore, #tpu.memory_space<semaphore_mem>>
    %dma_wait3A_45 = tpu.memref_squeeze %dma_wait3A_44 : memref<1x!tpu.dma_semaphore, #tpu.memory_space<semaphore_mem>> -> memref<!tpu.dma_semaphore, #tpu.memory_space<semaphore_mem>>
    tpu.wait_indirect_dma semaphore(%dma_wait3A_45 : memref<!tpu.dma_semaphore, #tpu.memory_space<semaphore_mem>>) src(%dma_wait3A_43 : memref<102400xf32, #tpu.memory_space<hbm>>) dst(%dma_wait3A_39 : memref<128xf32, #tpu.memory_space<vmem>>)
    %dma_wait3A_46 = arith.constant 1 : i32
    %dma_wait3A_47 = arith.constant 128 : i32
    %dma_wait3A_48 = tpu.memref_slice %arg6[%dma_wait3A_47] : memref<512xf32, #tpu.memory_space<vmem>> -> memref<128xf32, #tpu.memory_space<vmem>>
    %dma_wait3A_49 = arith.constant 128 : i32
    %dma_wait3A_50 = tpu.memref_slice %arg5[%dma_wait3A_49] : memref<512xi32, #tpu.memory_space<vmem>> -> memref<128xi32, #tpu.memory_space<vmem>>
    %dma_wait3A_51 = arith.constant 0 : i32
    %dma_wait3A_52 = tpu.memref_slice %arg2[%dma_wait3A_51] : memref<102400xf32, #tpu.memory_space<hbm>> -> memref<102400xf32, #tpu.memory_space<hbm>>
    %dma_wait3A_53 = tpu.memref_slice %arg7[%dma_wait3A_46] : memref<4x!tpu.dma_semaphore, #tpu.memory_space<semaphore_mem>> -> memref<1x!tpu.dma_semaphore, #tpu.memory_space<semaphore_mem>>
    %dma_wait3A_54 = tpu.memref_squeeze %dma_wait3A_53 : memref<1x!tpu.dma_semaphore, #tpu.memory_space<semaphore_mem>> -> memref<!tpu.dma_semaphore, #tpu.memory_space<semaphore_mem>>
    tpu.wait_indirect_dma semaphore(%dma_wait3A_54 : memref<!tpu.dma_semaphore, #tpu.memory_space<semaphore_mem>>) src(%dma_wait3A_52 : memref<102400xf32, #tpu.memory_space<hbm>>) dst(%dma_wait3A_48 : memref<128xf32, #tpu.memory_space<vmem>>)
    %dma_wait3A_55 = arith.constant 2 : i32
    %dma_wait3A_56 = arith.constant 256 : i32
    %dma_wait3A_57 = tpu.memref_slice %arg6[%dma_wait3A_56] : memref<512xf32, #tpu.memory_space<vmem>> -> memref<128xf32, #tpu.memory_space<vmem>>
    %dma_wait3A_58 = arith.constant 256 : i32
    %dma_wait3A_59 = tpu.memref_slice %arg5[%dma_wait3A_58] : memref<512xi32, #tpu.memory_space<vmem>> -> memref<128xi32, #tpu.memory_space<vmem>>
    %dma_wait3A_60 = arith.constant 0 : i32
    %dma_wait3A_61 = tpu.memref_slice %arg2[%dma_wait3A_60] : memref<102400xf32, #tpu.memory_space<hbm>> -> memref<102400xf32, #tpu.memory_space<hbm>>
    %dma_wait3A_62 = tpu.memref_slice %arg7[%dma_wait3A_55] : memref<4x!tpu.dma_semaphore, #tpu.memory_space<semaphore_mem>> -> memref<1x!tpu.dma_semaphore, #tpu.memory_space<semaphore_mem>>
    %dma_wait3A_63 = tpu.memref_squeeze %dma_wait3A_62 : memref<1x!tpu.dma_semaphore, #tpu.memory_space<semaphore_mem>> -> memref<!tpu.dma_semaphore, #tpu.memory_space<semaphore_mem>>
    tpu.wait_indirect_dma semaphore(%dma_wait3A_63 : memref<!tpu.dma_semaphore, #tpu.memory_space<semaphore_mem>>) src(%dma_wait3A_61 : memref<102400xf32, #tpu.memory_space<hbm>>) dst(%dma_wait3A_57 : memref<128xf32, #tpu.memory_space<vmem>>)
    %dma_wait3A_64 = arith.constant 3 : i32
    %dma_wait3A_65 = arith.constant 384 : i32
    %dma_wait3A_66 = tpu.memref_slice %arg6[%dma_wait3A_65] : memref<512xf32, #tpu.memory_space<vmem>> -> memref<128xf32, #tpu.memory_space<vmem>>
    %dma_wait3A_67 = arith.constant 384 : i32
    %dma_wait3A_68 = tpu.memref_slice %arg5[%dma_wait3A_67] : memref<512xi32, #tpu.memory_space<vmem>> -> memref<128xi32, #tpu.memory_space<vmem>>
    %dma_wait3A_69 = arith.constant 0 : i32
    %dma_wait3A_70 = tpu.memref_slice %arg2[%dma_wait3A_69] : memref<102400xf32, #tpu.memory_space<hbm>> -> memref<102400xf32, #tpu.memory_space<hbm>>
    %dma_wait3A_71 = tpu.memref_slice %arg7[%dma_wait3A_64] : memref<4x!tpu.dma_semaphore, #tpu.memory_space<semaphore_mem>> -> memref<1x!tpu.dma_semaphore, #tpu.memory_space<semaphore_mem>>
    %dma_wait3A_72 = tpu.memref_squeeze %dma_wait3A_71 : memref<1x!tpu.dma_semaphore, #tpu.memory_space<semaphore_mem>> -> memref<!tpu.dma_semaphore, #tpu.memory_space<semaphore_mem>>
    tpu.wait_indirect_dma semaphore(%dma_wait3A_72 : memref<!tpu.dma_semaphore, #tpu.memory_space<semaphore_mem>>) src(%dma_wait3A_70 : memref<102400xf32, #tpu.memory_space<hbm>>) dst(%dma_wait3A_66 : memref<128xf32, #tpu.memory_space<vmem>>)
    "tpu.region"() ({
      %run_scoped3A = tpu.sem_alloc : memref<!tpu.dma_semaphore, #tpu.memory_space<semaphore_mem>>
      %dma_start3A_73 = tpu.memref_slice %arg4[%mul3A_2] : memref<16384xf32, #tpu.memory_space<hbm>> -> memref<512xf32, #tpu.memory_space<hbm>>
      %dma_start3A_74 = tpu.memref_slice %arg4[%mul3A_2] : memref<16384xf32, #tpu.memory_space<hbm>> -> memref<512xf32, #tpu.memory_space<hbm>>
      tpu.enqueue_dma source(%arg6 : memref<512xf32, #tpu.memory_space<vmem>>) target(%dma_start3A_74 : memref<512xf32, #tpu.memory_space<hbm>>) target_semaphore(%run_scoped3A : memref<!tpu.dma_semaphore, #tpu.memory_space<semaphore_mem>>)
      %dma_wait3A_75 = tpu.memref_slice %arg4[%mul3A_2] : memref<16384xf32, #tpu.memory_space<hbm>> -> memref<512xf32, #tpu.memory_space<hbm>>
      %dma_wait3A_76 = tpu.memref_slice %arg4[%mul3A_2] : memref<16384xf32, #tpu.memory_space<hbm>> -> memref<512xf32, #tpu.memory_space<hbm>>
      tpu.wait_dma2 semaphore(%run_scoped3A : memref<!tpu.dma_semaphore, #tpu.memory_space<semaphore_mem>>) src(%arg6 : memref<512xf32, #tpu.memory_space<vmem>>) dst(%dma_wait3A_76 : memref<512xf32, #tpu.memory_space<hbm>>)
      tpu.yield
    }) : () -> ()
    return
  }
}

module attributes {stable_mosaic.version = 14 : i64} {
  func.func @_tc_table_body(%arg0: i32, %arg1: memref<16x100000xf32, #tpu.memory_space<any>>, %arg2: memref<1x30xf32, #tpu.memory_space<smem>>, %arg3: memref<1xf32, #tpu.memory_space<smem>>, %arg4: memref<16x128xf32, #tpu.memory_space<vmem>>, %arg5: memref<102400xf32, #tpu.memory_space<vmem>>, %arg6: memref<16x16x6400xf32, #tpu.memory_space<vmem>>, %arg7: memref<16x!tpu.dma_semaphore, #tpu.memory_space<semaphore_mem>>) attributes {dimension_semantics = [#tpu.dimension_semantics<arbitrary>], iteration_bounds = array<i64: 1>, scalar_prefetch = 0 : i64, scratch_operands = 2 : i64, tpu.core_type = #tpu.core_type<tc>, window_params = [{}, {transform_indices = @transform_1, window_bounds = array<i64: 1, 30>}, {transform_indices = @transform_2, window_bounds = array<i64: 1>}, {transform_indices = @transform_3, window_bounds = array<i64: 16, 128>}, {pipeline_mode = #tpu.pipeline_mode<synchronous>, transform_indices = @transform_4, window_bounds = array<i64: 102400>}]} {
    %iota3A = tpu.iota {dimensions = array<i32: 0>} : vector<16x1xi32>
    %broadcast_in_dim3A = arith.constant 0.000000e+00 : f32
    %broadcast_in_dim3A_0 = vector.broadcast %broadcast_in_dim3A : f32 to vector<16x1xf32>
    %eq3A = arith.constant 0 : i32
    %eq3A_1 = vector.broadcast %eq3A : i32 to vector<16x1xi32>
    %eq3A_2 = arith.cmpi eq, %iota3A, %eq3A_1 : vector<16x1xi32>
    %get3A = arith.constant 0 : index
    %get3A_3 = arith.constant 14 : index
    %get3A_4 = memref.load %arg2[%get3A, %get3A_3] : memref<1x30xf32, #tpu.memory_space<smem>>
    %broadcast_in_dim3A_5 = vector.broadcast %get3A_4 : f32 to vector<16x1xf32>
    %select_n3A = arith.select %eq3A_2, %broadcast_in_dim3A_5, %broadcast_in_dim3A_0 : vector<16x1xi1>, vector<16x1xf32>
    %eq3A_6 = arith.constant 1 : i32
    %eq3A_7 = vector.broadcast %eq3A_6 : i32 to vector<16x1xi32>
    %eq3A_8 = arith.cmpi eq, %iota3A, %eq3A_7 : vector<16x1xi32>
    %get3A_9 = arith.constant 0 : index
    %get3A_10 = arith.constant 15 : index
    %get3A_11 = memref.load %arg2[%get3A_9, %get3A_10] : memref<1x30xf32, #tpu.memory_space<smem>>
    %broadcast_in_dim3A_12 = vector.broadcast %get3A_11 : f32 to vector<16x1xf32>
    %select_n3A_13 = arith.select %eq3A_8, %broadcast_in_dim3A_12, %select_n3A : vector<16x1xi1>, vector<16x1xf32>
    %eq3A_14 = arith.constant 2 : i32
    %eq3A_15 = vector.broadcast %eq3A_14 : i32 to vector<16x1xi32>
    %eq3A_16 = arith.cmpi eq, %iota3A, %eq3A_15 : vector<16x1xi32>
    %get3A_17 = arith.constant 0 : index
    %get3A_18 = arith.constant 16 : index
    %get3A_19 = memref.load %arg2[%get3A_17, %get3A_18] : memref<1x30xf32, #tpu.memory_space<smem>>
    %broadcast_in_dim3A_20 = vector.broadcast %get3A_19 : f32 to vector<16x1xf32>
    %select_n3A_21 = arith.select %eq3A_16, %broadcast_in_dim3A_20, %select_n3A_13 : vector<16x1xi1>, vector<16x1xf32>
    %eq3A_22 = arith.constant 3 : i32
    %eq3A_23 = vector.broadcast %eq3A_22 : i32 to vector<16x1xi32>
    %eq3A_24 = arith.cmpi eq, %iota3A, %eq3A_23 : vector<16x1xi32>
    %get3A_25 = arith.constant 0 : index
    %get3A_26 = arith.constant 17 : index
    %get3A_27 = memref.load %arg2[%get3A_25, %get3A_26] : memref<1x30xf32, #tpu.memory_space<smem>>
    %broadcast_in_dim3A_28 = vector.broadcast %get3A_27 : f32 to vector<16x1xf32>
    %select_n3A_29 = arith.select %eq3A_24, %broadcast_in_dim3A_28, %select_n3A_21 : vector<16x1xi1>, vector<16x1xf32>
    %eq3A_30 = arith.constant 4 : i32
    %eq3A_31 = vector.broadcast %eq3A_30 : i32 to vector<16x1xi32>
    %eq3A_32 = arith.cmpi eq, %iota3A, %eq3A_31 : vector<16x1xi32>
    %get3A_33 = arith.constant 0 : index
    %get3A_34 = arith.constant 18 : index
    %get3A_35 = memref.load %arg2[%get3A_33, %get3A_34] : memref<1x30xf32, #tpu.memory_space<smem>>
    %broadcast_in_dim3A_36 = vector.broadcast %get3A_35 : f32 to vector<16x1xf32>
    %select_n3A_37 = arith.select %eq3A_32, %broadcast_in_dim3A_36, %select_n3A_29 : vector<16x1xi1>, vector<16x1xf32>
    %eq3A_38 = arith.constant 5 : i32
    %eq3A_39 = vector.broadcast %eq3A_38 : i32 to vector<16x1xi32>
    %eq3A_40 = arith.cmpi eq, %iota3A, %eq3A_39 : vector<16x1xi32>
    %get3A_41 = arith.constant 0 : index
    %get3A_42 = arith.constant 19 : index
    %get3A_43 = memref.load %arg2[%get3A_41, %get3A_42] : memref<1x30xf32, #tpu.memory_space<smem>>
    %broadcast_in_dim3A_44 = vector.broadcast %get3A_43 : f32 to vector<16x1xf32>
    %select_n3A_45 = arith.select %eq3A_40, %broadcast_in_dim3A_44, %select_n3A_37 : vector<16x1xi1>, vector<16x1xf32>
    %eq3A_46 = arith.constant 6 : i32
    %eq3A_47 = vector.broadcast %eq3A_46 : i32 to vector<16x1xi32>
    %eq3A_48 = arith.cmpi eq, %iota3A, %eq3A_47 : vector<16x1xi32>
    %get3A_49 = arith.constant 0 : index
    %get3A_50 = arith.constant 20 : index
    %get3A_51 = memref.load %arg2[%get3A_49, %get3A_50] : memref<1x30xf32, #tpu.memory_space<smem>>
    %broadcast_in_dim3A_52 = vector.broadcast %get3A_51 : f32 to vector<16x1xf32>
    %select_n3A_53 = arith.select %eq3A_48, %broadcast_in_dim3A_52, %select_n3A_45 : vector<16x1xi1>, vector<16x1xf32>
    %eq3A_54 = arith.constant 7 : i32
    %eq3A_55 = vector.broadcast %eq3A_54 : i32 to vector<16x1xi32>
    %eq3A_56 = arith.cmpi eq, %iota3A, %eq3A_55 : vector<16x1xi32>
    %get3A_57 = arith.constant 0 : index
    %get3A_58 = arith.constant 21 : index
    %get3A_59 = memref.load %arg2[%get3A_57, %get3A_58] : memref<1x30xf32, #tpu.memory_space<smem>>
    %broadcast_in_dim3A_60 = vector.broadcast %get3A_59 : f32 to vector<16x1xf32>
    %select_n3A_61 = arith.select %eq3A_56, %broadcast_in_dim3A_60, %select_n3A_53 : vector<16x1xi1>, vector<16x1xf32>
    %eq3A_62 = arith.constant 8 : i32
    %eq3A_63 = vector.broadcast %eq3A_62 : i32 to vector<16x1xi32>
    %eq3A_64 = arith.cmpi eq, %iota3A, %eq3A_63 : vector<16x1xi32>
    %get3A_65 = arith.constant 0 : index
    %get3A_66 = arith.constant 22 : index
    %get3A_67 = memref.load %arg2[%get3A_65, %get3A_66] : memref<1x30xf32, #tpu.memory_space<smem>>
    %broadcast_in_dim3A_68 = vector.broadcast %get3A_67 : f32 to vector<16x1xf32>
    %select_n3A_69 = arith.select %eq3A_64, %broadcast_in_dim3A_68, %select_n3A_61 : vector<16x1xi1>, vector<16x1xf32>
    %eq3A_70 = arith.constant 9 : i32
    %eq3A_71 = vector.broadcast %eq3A_70 : i32 to vector<16x1xi32>
    %eq3A_72 = arith.cmpi eq, %iota3A, %eq3A_71 : vector<16x1xi32>
    %get3A_73 = arith.constant 0 : index
    %get3A_74 = arith.constant 23 : index
    %get3A_75 = memref.load %arg2[%get3A_73, %get3A_74] : memref<1x30xf32, #tpu.memory_space<smem>>
    %broadcast_in_dim3A_76 = vector.broadcast %get3A_75 : f32 to vector<16x1xf32>
    %select_n3A_77 = arith.select %eq3A_72, %broadcast_in_dim3A_76, %select_n3A_69 : vector<16x1xi1>, vector<16x1xf32>
    %eq3A_78 = arith.constant 10 : i32
    %eq3A_79 = vector.broadcast %eq3A_78 : i32 to vector<16x1xi32>
    %eq3A_80 = arith.cmpi eq, %iota3A, %eq3A_79 : vector<16x1xi32>
    %get3A_81 = arith.constant 0 : index
    %get3A_82 = arith.constant 24 : index
    %get3A_83 = memref.load %arg2[%get3A_81, %get3A_82] : memref<1x30xf32, #tpu.memory_space<smem>>
    %broadcast_in_dim3A_84 = vector.broadcast %get3A_83 : f32 to vector<16x1xf32>
    %select_n3A_85 = arith.select %eq3A_80, %broadcast_in_dim3A_84, %select_n3A_77 : vector<16x1xi1>, vector<16x1xf32>
    %eq3A_86 = arith.constant 11 : i32
    %eq3A_87 = vector.broadcast %eq3A_86 : i32 to vector<16x1xi32>
    %eq3A_88 = arith.cmpi eq, %iota3A, %eq3A_87 : vector<16x1xi32>
    %get3A_89 = arith.constant 0 : index
    %get3A_90 = arith.constant 25 : index
    %get3A_91 = memref.load %arg2[%get3A_89, %get3A_90] : memref<1x30xf32, #tpu.memory_space<smem>>
    %broadcast_in_dim3A_92 = vector.broadcast %get3A_91 : f32 to vector<16x1xf32>
    %select_n3A_93 = arith.select %eq3A_88, %broadcast_in_dim3A_92, %select_n3A_85 : vector<16x1xi1>, vector<16x1xf32>
    %eq3A_94 = arith.constant 12 : i32
    %eq3A_95 = vector.broadcast %eq3A_94 : i32 to vector<16x1xi32>
    %eq3A_96 = arith.cmpi eq, %iota3A, %eq3A_95 : vector<16x1xi32>
    %get3A_97 = arith.constant 0 : index
    %get3A_98 = arith.constant 26 : index
    %get3A_99 = memref.load %arg2[%get3A_97, %get3A_98] : memref<1x30xf32, #tpu.memory_space<smem>>
    %broadcast_in_dim3A_100 = vector.broadcast %get3A_99 : f32 to vector<16x1xf32>
    %select_n3A_101 = arith.select %eq3A_96, %broadcast_in_dim3A_100, %select_n3A_93 : vector<16x1xi1>, vector<16x1xf32>
    %eq3A_102 = arith.constant 13 : i32
    %eq3A_103 = vector.broadcast %eq3A_102 : i32 to vector<16x1xi32>
    %eq3A_104 = arith.cmpi eq, %iota3A, %eq3A_103 : vector<16x1xi32>
    %get3A_105 = arith.constant 0 : index
    %get3A_106 = arith.constant 27 : index
    %get3A_107 = memref.load %arg2[%get3A_105, %get3A_106] : memref<1x30xf32, #tpu.memory_space<smem>>
    %broadcast_in_dim3A_108 = vector.broadcast %get3A_107 : f32 to vector<16x1xf32>
    %select_n3A_109 = arith.select %eq3A_104, %broadcast_in_dim3A_108, %select_n3A_101 : vector<16x1xi1>, vector<16x1xf32>
    %eq3A_110 = arith.constant 14 : i32
    %eq3A_111 = vector.broadcast %eq3A_110 : i32 to vector<16x1xi32>
    %eq3A_112 = arith.cmpi eq, %iota3A, %eq3A_111 : vector<16x1xi32>
    %get3A_113 = arith.constant 0 : index
    %get3A_114 = arith.constant 28 : index
    %get3A_115 = memref.load %arg2[%get3A_113, %get3A_114] : memref<1x30xf32, #tpu.memory_space<smem>>
    %broadcast_in_dim3A_116 = vector.broadcast %get3A_115 : f32 to vector<16x1xf32>
    %select_n3A_117 = arith.select %eq3A_112, %broadcast_in_dim3A_116, %select_n3A_109 : vector<16x1xi1>, vector<16x1xf32>
    %eq3A_118 = arith.constant 15 : i32
    %eq3A_119 = vector.broadcast %eq3A_118 : i32 to vector<16x1xi32>
    %eq3A_120 = arith.cmpi eq, %iota3A, %eq3A_119 : vector<16x1xi32>
    %get3A_121 = arith.constant 0 : index
    %get3A_122 = arith.constant 29 : index
    %get3A_123 = memref.load %arg2[%get3A_121, %get3A_122] : memref<1x30xf32, #tpu.memory_space<smem>>
    %broadcast_in_dim3A_124 = vector.broadcast %get3A_123 : f32 to vector<16x1xf32>
    %select_n3A_125 = arith.select %eq3A_120, %broadcast_in_dim3A_124, %select_n3A_117 : vector<16x1xi1>, vector<16x1xf32>
    %dma_start3A = arith.constant 0 : i32
    %dma_start3A_126 = arith.constant 0 : i32
    %dma_start3A_127 = tpu.memref_slice %arg7[%dma_start3A_126] : memref<16x!tpu.dma_semaphore, #tpu.memory_space<semaphore_mem>> -> memref<1x!tpu.dma_semaphore, #tpu.memory_space<semaphore_mem>>
    %dma_start3A_128 = tpu.memref_squeeze %dma_start3A_127 : memref<1x!tpu.dma_semaphore, #tpu.memory_space<semaphore_mem>> -> memref<!tpu.dma_semaphore, #tpu.memory_space<semaphore_mem>>
    %dma_start3A_129 = arith.constant 0 : i32
    %dma_start3A_130 = arith.constant 0 : i32
    %dma_start3A_131 = tpu.memref_slice %arg6[%dma_start3A, %dma_start3A_129, %dma_start3A_130] : memref<16x16x6400xf32, #tpu.memory_space<vmem>> -> memref<1x16x6400xf32, #tpu.memory_space<vmem>>
    %dma_start3A_132 = tpu.memref_squeeze %dma_start3A_131 : memref<1x16x6400xf32, #tpu.memory_space<vmem>> -> memref<16x6400xf32, #tpu.memory_space<vmem>>
    %dma_start3A_133 = arith.constant 0 : i32
    %dma_start3A_134 = arith.constant 0 : i32
    %dma_start3A_135 = tpu.memref_slice %arg1[%dma_start3A_133, %dma_start3A_134] : memref<16x100000xf32, #tpu.memory_space<any>> -> memref<16x6400xf32, #tpu.memory_space<any>>
    tpu.enqueue_dma source(%dma_start3A_135 : memref<16x6400xf32, #tpu.memory_space<any>>) target(%dma_start3A_132 : memref<16x6400xf32, #tpu.memory_space<vmem>>) target_semaphore(%dma_start3A_128 : memref<!tpu.dma_semaphore, #tpu.memory_space<semaphore_mem>>)
    %dma_start3A_136 = arith.constant 1 : i32
    %dma_start3A_137 = arith.constant 1 : i32
    %dma_start3A_138 = tpu.memref_slice %arg7[%dma_start3A_137] : memref<16x!tpu.dma_semaphore, #tpu.memory_space<semaphore_mem>> -> memref<1x!tpu.dma_semaphore, #tpu.memory_space<semaphore_mem>>
    %dma_start3A_139 = tpu.memref_squeeze %dma_start3A_138 : memref<1x!tpu.dma_semaphore, #tpu.memory_space<semaphore_mem>> -> memref<!tpu.dma_semaphore, #tpu.memory_space<semaphore_mem>>
    %dma_start3A_140 = arith.constant 0 : i32
    %dma_start3A_141 = arith.constant 0 : i32
    %dma_start3A_142 = tpu.memref_slice %arg6[%dma_start3A_136, %dma_start3A_140, %dma_start3A_141] : memref<16x16x6400xf32, #tpu.memory_space<vmem>> -> memref<1x16x6400xf32, #tpu.memory_space<vmem>>
    %dma_start3A_143 = tpu.memref_squeeze %dma_start3A_142 : memref<1x16x6400xf32, #tpu.memory_space<vmem>> -> memref<16x6400xf32, #tpu.memory_space<vmem>>
    %dma_start3A_144 = arith.constant 0 : i32
    %dma_start3A_145 = arith.constant 6400 : i32
    %dma_start3A_146 = tpu.memref_slice %arg1[%dma_start3A_144, %dma_start3A_145] : memref<16x100000xf32, #tpu.memory_space<any>> -> memref<16x6400xf32, #tpu.memory_space<any>>
    tpu.enqueue_dma source(%dma_start3A_146 : memref<16x6400xf32, #tpu.memory_space<any>>) target(%dma_start3A_143 : memref<16x6400xf32, #tpu.memory_space<vmem>>) target_semaphore(%dma_start3A_139 : memref<!tpu.dma_semaphore, #tpu.memory_space<semaphore_mem>>)
    %dma_start3A_147 = arith.constant 2 : i32
    %dma_start3A_148 = arith.constant 2 : i32
    %dma_start3A_149 = tpu.memref_slice %arg7[%dma_start3A_148] : memref<16x!tpu.dma_semaphore, #tpu.memory_space<semaphore_mem>> -> memref<1x!tpu.dma_semaphore, #tpu.memory_space<semaphore_mem>>
    %dma_start3A_150 = tpu.memref_squeeze %dma_start3A_149 : memref<1x!tpu.dma_semaphore, #tpu.memory_space<semaphore_mem>> -> memref<!tpu.dma_semaphore, #tpu.memory_space<semaphore_mem>>
    %dma_start3A_151 = arith.constant 0 : i32
    %dma_start3A_152 = arith.constant 0 : i32
    %dma_start3A_153 = tpu.memref_slice %arg6[%dma_start3A_147, %dma_start3A_151, %dma_start3A_152] : memref<16x16x6400xf32, #tpu.memory_space<vmem>> -> memref<1x16x6400xf32, #tpu.memory_space<vmem>>
    %dma_start3A_154 = tpu.memref_squeeze %dma_start3A_153 : memref<1x16x6400xf32, #tpu.memory_space<vmem>> -> memref<16x6400xf32, #tpu.memory_space<vmem>>
    %dma_start3A_155 = arith.constant 0 : i32
    %dma_start3A_156 = arith.constant 12800 : i32
    %dma_start3A_157 = tpu.memref_slice %arg1[%dma_start3A_155, %dma_start3A_156] : memref<16x100000xf32, #tpu.memory_space<any>> -> memref<16x6400xf32, #tpu.memory_space<any>>
    tpu.enqueue_dma source(%dma_start3A_157 : memref<16x6400xf32, #tpu.memory_space<any>>) target(%dma_start3A_154 : memref<16x6400xf32, #tpu.memory_space<vmem>>) target_semaphore(%dma_start3A_150 : memref<!tpu.dma_semaphore, #tpu.memory_space<semaphore_mem>>)
    %dma_start3A_158 = arith.constant 3 : i32
    %dma_start3A_159 = arith.constant 3 : i32
    %dma_start3A_160 = tpu.memref_slice %arg7[%dma_start3A_159] : memref<16x!tpu.dma_semaphore, #tpu.memory_space<semaphore_mem>> -> memref<1x!tpu.dma_semaphore, #tpu.memory_space<semaphore_mem>>
    %dma_start3A_161 = tpu.memref_squeeze %dma_start3A_160 : memref<1x!tpu.dma_semaphore, #tpu.memory_space<semaphore_mem>> -> memref<!tpu.dma_semaphore, #tpu.memory_space<semaphore_mem>>
    %dma_start3A_162 = arith.constant 0 : i32
    %dma_start3A_163 = arith.constant 0 : i32
    %dma_start3A_164 = tpu.memref_slice %arg6[%dma_start3A_158, %dma_start3A_162, %dma_start3A_163] : memref<16x16x6400xf32, #tpu.memory_space<vmem>> -> memref<1x16x6400xf32, #tpu.memory_space<vmem>>
    %dma_start3A_165 = tpu.memref_squeeze %dma_start3A_164 : memref<1x16x6400xf32, #tpu.memory_space<vmem>> -> memref<16x6400xf32, #tpu.memory_space<vmem>>
    %dma_start3A_166 = arith.constant 0 : i32
    %dma_start3A_167 = arith.constant 19200 : i32
    %dma_start3A_168 = tpu.memref_slice %arg1[%dma_start3A_166, %dma_start3A_167] : memref<16x100000xf32, #tpu.memory_space<any>> -> memref<16x6400xf32, #tpu.memory_space<any>>
    tpu.enqueue_dma source(%dma_start3A_168 : memref<16x6400xf32, #tpu.memory_space<any>>) target(%dma_start3A_165 : memref<16x6400xf32, #tpu.memory_space<vmem>>) target_semaphore(%dma_start3A_161 : memref<!tpu.dma_semaphore, #tpu.memory_space<semaphore_mem>>)
    %dma_start3A_169 = arith.constant 4 : i32
    %dma_start3A_170 = arith.constant 4 : i32
    %dma_start3A_171 = tpu.memref_slice %arg7[%dma_start3A_170] : memref<16x!tpu.dma_semaphore, #tpu.memory_space<semaphore_mem>> -> memref<1x!tpu.dma_semaphore, #tpu.memory_space<semaphore_mem>>
    %dma_start3A_172 = tpu.memref_squeeze %dma_start3A_171 : memref<1x!tpu.dma_semaphore, #tpu.memory_space<semaphore_mem>> -> memref<!tpu.dma_semaphore, #tpu.memory_space<semaphore_mem>>
    %dma_start3A_173 = arith.constant 0 : i32
    %dma_start3A_174 = arith.constant 0 : i32
    %dma_start3A_175 = tpu.memref_slice %arg6[%dma_start3A_169, %dma_start3A_173, %dma_start3A_174] : memref<16x16x6400xf32, #tpu.memory_space<vmem>> -> memref<1x16x6400xf32, #tpu.memory_space<vmem>>
    %dma_start3A_176 = tpu.memref_squeeze %dma_start3A_175 : memref<1x16x6400xf32, #tpu.memory_space<vmem>> -> memref<16x6400xf32, #tpu.memory_space<vmem>>
    %dma_start3A_177 = arith.constant 0 : i32
    %dma_start3A_178 = arith.constant 25600 : i32
    %dma_start3A_179 = tpu.memref_slice %arg1[%dma_start3A_177, %dma_start3A_178] : memref<16x100000xf32, #tpu.memory_space<any>> -> memref<16x6400xf32, #tpu.memory_space<any>>
    tpu.enqueue_dma source(%dma_start3A_179 : memref<16x6400xf32, #tpu.memory_space<any>>) target(%dma_start3A_176 : memref<16x6400xf32, #tpu.memory_space<vmem>>) target_semaphore(%dma_start3A_172 : memref<!tpu.dma_semaphore, #tpu.memory_space<semaphore_mem>>)
    %dma_start3A_180 = arith.constant 5 : i32
    %dma_start3A_181 = arith.constant 5 : i32
    %dma_start3A_182 = tpu.memref_slice %arg7[%dma_start3A_181] : memref<16x!tpu.dma_semaphore, #tpu.memory_space<semaphore_mem>> -> memref<1x!tpu.dma_semaphore, #tpu.memory_space<semaphore_mem>>
    %dma_start3A_183 = tpu.memref_squeeze %dma_start3A_182 : memref<1x!tpu.dma_semaphore, #tpu.memory_space<semaphore_mem>> -> memref<!tpu.dma_semaphore, #tpu.memory_space<semaphore_mem>>
    %dma_start3A_184 = arith.constant 0 : i32
    %dma_start3A_185 = arith.constant 0 : i32
    %dma_start3A_186 = tpu.memref_slice %arg6[%dma_start3A_180, %dma_start3A_184, %dma_start3A_185] : memref<16x16x6400xf32, #tpu.memory_space<vmem>> -> memref<1x16x6400xf32, #tpu.memory_space<vmem>>
    %dma_start3A_187 = tpu.memref_squeeze %dma_start3A_186 : memref<1x16x6400xf32, #tpu.memory_space<vmem>> -> memref<16x6400xf32, #tpu.memory_space<vmem>>
    %dma_start3A_188 = arith.constant 0 : i32
    %dma_start3A_189 = arith.constant 32000 : i32
    %dma_start3A_190 = tpu.memref_slice %arg1[%dma_start3A_188, %dma_start3A_189] : memref<16x100000xf32, #tpu.memory_space<any>> -> memref<16x6400xf32, #tpu.memory_space<any>>
    tpu.enqueue_dma source(%dma_start3A_190 : memref<16x6400xf32, #tpu.memory_space<any>>) target(%dma_start3A_187 : memref<16x6400xf32, #tpu.memory_space<vmem>>) target_semaphore(%dma_start3A_183 : memref<!tpu.dma_semaphore, #tpu.memory_space<semaphore_mem>>)
    %dma_start3A_191 = arith.constant 6 : i32
    %dma_start3A_192 = arith.constant 6 : i32
    %dma_start3A_193 = tpu.memref_slice %arg7[%dma_start3A_192] : memref<16x!tpu.dma_semaphore, #tpu.memory_space<semaphore_mem>> -> memref<1x!tpu.dma_semaphore, #tpu.memory_space<semaphore_mem>>
    %dma_start3A_194 = tpu.memref_squeeze %dma_start3A_193 : memref<1x!tpu.dma_semaphore, #tpu.memory_space<semaphore_mem>> -> memref<!tpu.dma_semaphore, #tpu.memory_space<semaphore_mem>>
    %dma_start3A_195 = arith.constant 0 : i32
    %dma_start3A_196 = arith.constant 0 : i32
    %dma_start3A_197 = tpu.memref_slice %arg6[%dma_start3A_191, %dma_start3A_195, %dma_start3A_196] : memref<16x16x6400xf32, #tpu.memory_space<vmem>> -> memref<1x16x6400xf32, #tpu.memory_space<vmem>>
    %dma_start3A_198 = tpu.memref_squeeze %dma_start3A_197 : memref<1x16x6400xf32, #tpu.memory_space<vmem>> -> memref<16x6400xf32, #tpu.memory_space<vmem>>
    %dma_start3A_199 = arith.constant 0 : i32
    %dma_start3A_200 = arith.constant 38400 : i32
    %dma_start3A_201 = tpu.memref_slice %arg1[%dma_start3A_199, %dma_start3A_200] : memref<16x100000xf32, #tpu.memory_space<any>> -> memref<16x6400xf32, #tpu.memory_space<any>>
    tpu.enqueue_dma source(%dma_start3A_201 : memref<16x6400xf32, #tpu.memory_space<any>>) target(%dma_start3A_198 : memref<16x6400xf32, #tpu.memory_space<vmem>>) target_semaphore(%dma_start3A_194 : memref<!tpu.dma_semaphore, #tpu.memory_space<semaphore_mem>>)
    %dma_start3A_202 = arith.constant 7 : i32
    %dma_start3A_203 = arith.constant 7 : i32
    %dma_start3A_204 = tpu.memref_slice %arg7[%dma_start3A_203] : memref<16x!tpu.dma_semaphore, #tpu.memory_space<semaphore_mem>> -> memref<1x!tpu.dma_semaphore, #tpu.memory_space<semaphore_mem>>
    %dma_start3A_205 = tpu.memref_squeeze %dma_start3A_204 : memref<1x!tpu.dma_semaphore, #tpu.memory_space<semaphore_mem>> -> memref<!tpu.dma_semaphore, #tpu.memory_space<semaphore_mem>>
    %dma_start3A_206 = arith.constant 0 : i32
    %dma_start3A_207 = arith.constant 0 : i32
    %dma_start3A_208 = tpu.memref_slice %arg6[%dma_start3A_202, %dma_start3A_206, %dma_start3A_207] : memref<16x16x6400xf32, #tpu.memory_space<vmem>> -> memref<1x16x6400xf32, #tpu.memory_space<vmem>>
    %dma_start3A_209 = tpu.memref_squeeze %dma_start3A_208 : memref<1x16x6400xf32, #tpu.memory_space<vmem>> -> memref<16x6400xf32, #tpu.memory_space<vmem>>
    %dma_start3A_210 = arith.constant 0 : i32
    %dma_start3A_211 = arith.constant 44800 : i32
    %dma_start3A_212 = tpu.memref_slice %arg1[%dma_start3A_210, %dma_start3A_211] : memref<16x100000xf32, #tpu.memory_space<any>> -> memref<16x6400xf32, #tpu.memory_space<any>>
    tpu.enqueue_dma source(%dma_start3A_212 : memref<16x6400xf32, #tpu.memory_space<any>>) target(%dma_start3A_209 : memref<16x6400xf32, #tpu.memory_space<vmem>>) target_semaphore(%dma_start3A_205 : memref<!tpu.dma_semaphore, #tpu.memory_space<semaphore_mem>>)
    %dma_start3A_213 = arith.constant 8 : i32
    %dma_start3A_214 = arith.constant 8 : i32
    %dma_start3A_215 = tpu.memref_slice %arg7[%dma_start3A_214] : memref<16x!tpu.dma_semaphore, #tpu.memory_space<semaphore_mem>> -> memref<1x!tpu.dma_semaphore, #tpu.memory_space<semaphore_mem>>
    %dma_start3A_216 = tpu.memref_squeeze %dma_start3A_215 : memref<1x!tpu.dma_semaphore, #tpu.memory_space<semaphore_mem>> -> memref<!tpu.dma_semaphore, #tpu.memory_space<semaphore_mem>>
    %dma_start3A_217 = arith.constant 0 : i32
    %dma_start3A_218 = arith.constant 0 : i32
    %dma_start3A_219 = tpu.memref_slice %arg6[%dma_start3A_213, %dma_start3A_217, %dma_start3A_218] : memref<16x16x6400xf32, #tpu.memory_space<vmem>> -> memref<1x16x6400xf32, #tpu.memory_space<vmem>>
    %dma_start3A_220 = tpu.memref_squeeze %dma_start3A_219 : memref<1x16x6400xf32, #tpu.memory_space<vmem>> -> memref<16x6400xf32, #tpu.memory_space<vmem>>
    %dma_start3A_221 = arith.constant 0 : i32
    %dma_start3A_222 = arith.constant 51200 : i32
    %dma_start3A_223 = tpu.memref_slice %arg1[%dma_start3A_221, %dma_start3A_222] : memref<16x100000xf32, #tpu.memory_space<any>> -> memref<16x6400xf32, #tpu.memory_space<any>>
    tpu.enqueue_dma source(%dma_start3A_223 : memref<16x6400xf32, #tpu.memory_space<any>>) target(%dma_start3A_220 : memref<16x6400xf32, #tpu.memory_space<vmem>>) target_semaphore(%dma_start3A_216 : memref<!tpu.dma_semaphore, #tpu.memory_space<semaphore_mem>>)
    %dma_start3A_224 = arith.constant 9 : i32
    %dma_start3A_225 = arith.constant 9 : i32
    %dma_start3A_226 = tpu.memref_slice %arg7[%dma_start3A_225] : memref<16x!tpu.dma_semaphore, #tpu.memory_space<semaphore_mem>> -> memref<1x!tpu.dma_semaphore, #tpu.memory_space<semaphore_mem>>
    %dma_start3A_227 = tpu.memref_squeeze %dma_start3A_226 : memref<1x!tpu.dma_semaphore, #tpu.memory_space<semaphore_mem>> -> memref<!tpu.dma_semaphore, #tpu.memory_space<semaphore_mem>>
    %dma_start3A_228 = arith.constant 0 : i32
    %dma_start3A_229 = arith.constant 0 : i32
    %dma_start3A_230 = tpu.memref_slice %arg6[%dma_start3A_224, %dma_start3A_228, %dma_start3A_229] : memref<16x16x6400xf32, #tpu.memory_space<vmem>> -> memref<1x16x6400xf32, #tpu.memory_space<vmem>>
    %dma_start3A_231 = tpu.memref_squeeze %dma_start3A_230 : memref<1x16x6400xf32, #tpu.memory_space<vmem>> -> memref<16x6400xf32, #tpu.memory_space<vmem>>
    %dma_start3A_232 = arith.constant 0 : i32
    %dma_start3A_233 = arith.constant 57600 : i32
    %dma_start3A_234 = tpu.memref_slice %arg1[%dma_start3A_232, %dma_start3A_233] : memref<16x100000xf32, #tpu.memory_space<any>> -> memref<16x6400xf32, #tpu.memory_space<any>>
    tpu.enqueue_dma source(%dma_start3A_234 : memref<16x6400xf32, #tpu.memory_space<any>>) target(%dma_start3A_231 : memref<16x6400xf32, #tpu.memory_space<vmem>>) target_semaphore(%dma_start3A_227 : memref<!tpu.dma_semaphore, #tpu.memory_space<semaphore_mem>>)
    %dma_start3A_235 = arith.constant 10 : i32
    %dma_start3A_236 = arith.constant 10 : i32
    %dma_start3A_237 = tpu.memref_slice %arg7[%dma_start3A_236] : memref<16x!tpu.dma_semaphore, #tpu.memory_space<semaphore_mem>> -> memref<1x!tpu.dma_semaphore, #tpu.memory_space<semaphore_mem>>
    %dma_start3A_238 = tpu.memref_squeeze %dma_start3A_237 : memref<1x!tpu.dma_semaphore, #tpu.memory_space<semaphore_mem>> -> memref<!tpu.dma_semaphore, #tpu.memory_space<semaphore_mem>>
    %dma_start3A_239 = arith.constant 0 : i32
    %dma_start3A_240 = arith.constant 0 : i32
    %dma_start3A_241 = tpu.memref_slice %arg6[%dma_start3A_235, %dma_start3A_239, %dma_start3A_240] : memref<16x16x6400xf32, #tpu.memory_space<vmem>> -> memref<1x16x6400xf32, #tpu.memory_space<vmem>>
    %dma_start3A_242 = tpu.memref_squeeze %dma_start3A_241 : memref<1x16x6400xf32, #tpu.memory_space<vmem>> -> memref<16x6400xf32, #tpu.memory_space<vmem>>
    %dma_start3A_243 = arith.constant 0 : i32
    %dma_start3A_244 = arith.constant 64000 : i32
    %dma_start3A_245 = tpu.memref_slice %arg1[%dma_start3A_243, %dma_start3A_244] : memref<16x100000xf32, #tpu.memory_space<any>> -> memref<16x6400xf32, #tpu.memory_space<any>>
    tpu.enqueue_dma source(%dma_start3A_245 : memref<16x6400xf32, #tpu.memory_space<any>>) target(%dma_start3A_242 : memref<16x6400xf32, #tpu.memory_space<vmem>>) target_semaphore(%dma_start3A_238 : memref<!tpu.dma_semaphore, #tpu.memory_space<semaphore_mem>>)
    %dma_start3A_246 = arith.constant 11 : i32
    %dma_start3A_247 = arith.constant 11 : i32
    %dma_start3A_248 = tpu.memref_slice %arg7[%dma_start3A_247] : memref<16x!tpu.dma_semaphore, #tpu.memory_space<semaphore_mem>> -> memref<1x!tpu.dma_semaphore, #tpu.memory_space<semaphore_mem>>
    %dma_start3A_249 = tpu.memref_squeeze %dma_start3A_248 : memref<1x!tpu.dma_semaphore, #tpu.memory_space<semaphore_mem>> -> memref<!tpu.dma_semaphore, #tpu.memory_space<semaphore_mem>>
    %dma_start3A_250 = arith.constant 0 : i32
    %dma_start3A_251 = arith.constant 0 : i32
    %dma_start3A_252 = tpu.memref_slice %arg6[%dma_start3A_246, %dma_start3A_250, %dma_start3A_251] : memref<16x16x6400xf32, #tpu.memory_space<vmem>> -> memref<1x16x6400xf32, #tpu.memory_space<vmem>>
    %dma_start3A_253 = tpu.memref_squeeze %dma_start3A_252 : memref<1x16x6400xf32, #tpu.memory_space<vmem>> -> memref<16x6400xf32, #tpu.memory_space<vmem>>
    %dma_start3A_254 = arith.constant 0 : i32
    %dma_start3A_255 = arith.constant 70400 : i32
    %dma_start3A_256 = tpu.memref_slice %arg1[%dma_start3A_254, %dma_start3A_255] : memref<16x100000xf32, #tpu.memory_space<any>> -> memref<16x6400xf32, #tpu.memory_space<any>>
    tpu.enqueue_dma source(%dma_start3A_256 : memref<16x6400xf32, #tpu.memory_space<any>>) target(%dma_start3A_253 : memref<16x6400xf32, #tpu.memory_space<vmem>>) target_semaphore(%dma_start3A_249 : memref<!tpu.dma_semaphore, #tpu.memory_space<semaphore_mem>>)
    %dma_start3A_257 = arith.constant 12 : i32
    %dma_start3A_258 = arith.constant 12 : i32
    %dma_start3A_259 = tpu.memref_slice %arg7[%dma_start3A_258] : memref<16x!tpu.dma_semaphore, #tpu.memory_space<semaphore_mem>> -> memref<1x!tpu.dma_semaphore, #tpu.memory_space<semaphore_mem>>
    %dma_start3A_260 = tpu.memref_squeeze %dma_start3A_259 : memref<1x!tpu.dma_semaphore, #tpu.memory_space<semaphore_mem>> -> memref<!tpu.dma_semaphore, #tpu.memory_space<semaphore_mem>>
    %dma_start3A_261 = arith.constant 0 : i32
    %dma_start3A_262 = arith.constant 0 : i32
    %dma_start3A_263 = tpu.memref_slice %arg6[%dma_start3A_257, %dma_start3A_261, %dma_start3A_262] : memref<16x16x6400xf32, #tpu.memory_space<vmem>> -> memref<1x16x6400xf32, #tpu.memory_space<vmem>>
    %dma_start3A_264 = tpu.memref_squeeze %dma_start3A_263 : memref<1x16x6400xf32, #tpu.memory_space<vmem>> -> memref<16x6400xf32, #tpu.memory_space<vmem>>
    %dma_start3A_265 = arith.constant 0 : i32
    %dma_start3A_266 = arith.constant 76800 : i32
    %dma_start3A_267 = tpu.memref_slice %arg1[%dma_start3A_265, %dma_start3A_266] : memref<16x100000xf32, #tpu.memory_space<any>> -> memref<16x6400xf32, #tpu.memory_space<any>>
    tpu.enqueue_dma source(%dma_start3A_267 : memref<16x6400xf32, #tpu.memory_space<any>>) target(%dma_start3A_264 : memref<16x6400xf32, #tpu.memory_space<vmem>>) target_semaphore(%dma_start3A_260 : memref<!tpu.dma_semaphore, #tpu.memory_space<semaphore_mem>>)
    %dma_start3A_268 = arith.constant 13 : i32
    %dma_start3A_269 = arith.constant 13 : i32
    %dma_start3A_270 = tpu.memref_slice %arg7[%dma_start3A_269] : memref<16x!tpu.dma_semaphore, #tpu.memory_space<semaphore_mem>> -> memref<1x!tpu.dma_semaphore, #tpu.memory_space<semaphore_mem>>
    %dma_start3A_271 = tpu.memref_squeeze %dma_start3A_270 : memref<1x!tpu.dma_semaphore, #tpu.memory_space<semaphore_mem>> -> memref<!tpu.dma_semaphore, #tpu.memory_space<semaphore_mem>>
    %dma_start3A_272 = arith.constant 0 : i32
    %dma_start3A_273 = arith.constant 0 : i32
    %dma_start3A_274 = tpu.memref_slice %arg6[%dma_start3A_268, %dma_start3A_272, %dma_start3A_273] : memref<16x16x6400xf32, #tpu.memory_space<vmem>> -> memref<1x16x6400xf32, #tpu.memory_space<vmem>>
    %dma_start3A_275 = tpu.memref_squeeze %dma_start3A_274 : memref<1x16x6400xf32, #tpu.memory_space<vmem>> -> memref<16x6400xf32, #tpu.memory_space<vmem>>
    %dma_start3A_276 = arith.constant 0 : i32
    %dma_start3A_277 = arith.constant 83200 : i32
    %dma_start3A_278 = tpu.memref_slice %arg1[%dma_start3A_276, %dma_start3A_277] : memref<16x100000xf32, #tpu.memory_space<any>> -> memref<16x6400xf32, #tpu.memory_space<any>>
    tpu.enqueue_dma source(%dma_start3A_278 : memref<16x6400xf32, #tpu.memory_space<any>>) target(%dma_start3A_275 : memref<16x6400xf32, #tpu.memory_space<vmem>>) target_semaphore(%dma_start3A_271 : memref<!tpu.dma_semaphore, #tpu.memory_space<semaphore_mem>>)
    %dma_start3A_279 = arith.constant 14 : i32
    %dma_start3A_280 = arith.constant 14 : i32
    %dma_start3A_281 = tpu.memref_slice %arg7[%dma_start3A_280] : memref<16x!tpu.dma_semaphore, #tpu.memory_space<semaphore_mem>> -> memref<1x!tpu.dma_semaphore, #tpu.memory_space<semaphore_mem>>
    %dma_start3A_282 = tpu.memref_squeeze %dma_start3A_281 : memref<1x!tpu.dma_semaphore, #tpu.memory_space<semaphore_mem>> -> memref<!tpu.dma_semaphore, #tpu.memory_space<semaphore_mem>>
    %dma_start3A_283 = arith.constant 0 : i32
    %dma_start3A_284 = arith.constant 0 : i32
    %dma_start3A_285 = tpu.memref_slice %arg6[%dma_start3A_279, %dma_start3A_283, %dma_start3A_284] : memref<16x16x6400xf32, #tpu.memory_space<vmem>> -> memref<1x16x6400xf32, #tpu.memory_space<vmem>>
    %dma_start3A_286 = tpu.memref_squeeze %dma_start3A_285 : memref<1x16x6400xf32, #tpu.memory_space<vmem>> -> memref<16x6400xf32, #tpu.memory_space<vmem>>
    %dma_start3A_287 = arith.constant 0 : i32
    %dma_start3A_288 = arith.constant 89600 : i32
    %dma_start3A_289 = tpu.memref_slice %arg1[%dma_start3A_287, %dma_start3A_288] : memref<16x100000xf32, #tpu.memory_space<any>> -> memref<16x6400xf32, #tpu.memory_space<any>>
    tpu.enqueue_dma source(%dma_start3A_289 : memref<16x6400xf32, #tpu.memory_space<any>>) target(%dma_start3A_286 : memref<16x6400xf32, #tpu.memory_space<vmem>>) target_semaphore(%dma_start3A_282 : memref<!tpu.dma_semaphore, #tpu.memory_space<semaphore_mem>>)
    %dma_start3A_290 = arith.constant 15 : i32
    %dma_start3A_291 = arith.constant 15 : i32
    %dma_start3A_292 = tpu.memref_slice %arg7[%dma_start3A_291] : memref<16x!tpu.dma_semaphore, #tpu.memory_space<semaphore_mem>> -> memref<1x!tpu.dma_semaphore, #tpu.memory_space<semaphore_mem>>
    %dma_start3A_293 = tpu.memref_squeeze %dma_start3A_292 : memref<1x!tpu.dma_semaphore, #tpu.memory_space<semaphore_mem>> -> memref<!tpu.dma_semaphore, #tpu.memory_space<semaphore_mem>>
    %dma_start3A_294 = arith.constant 0 : i32
    %dma_start3A_295 = arith.constant 0 : i32
    %dma_start3A_296 = tpu.memref_slice %arg6[%dma_start3A_290, %dma_start3A_294, %dma_start3A_295] : memref<16x16x6400xf32, #tpu.memory_space<vmem>> -> memref<1x16x3968xf32, #tpu.memory_space<vmem>>
    %dma_start3A_297 = tpu.memref_squeeze %dma_start3A_296 : memref<1x16x3968xf32, #tpu.memory_space<vmem>> -> memref<16x3968xf32, #tpu.memory_space<vmem>>
    %dma_start3A_298 = arith.constant 0 : i32
    %dma_start3A_299 = arith.constant 96000 : i32
    %dma_start3A_300 = tpu.memref_slice %arg1[%dma_start3A_298, %dma_start3A_299] : memref<16x100000xf32, #tpu.memory_space<any>> -> memref<16x3968xf32, #tpu.memory_space<any>>
    tpu.enqueue_dma source(%dma_start3A_300 : memref<16x3968xf32, #tpu.memory_space<any>>) target(%dma_start3A_297 : memref<16x3968xf32, #tpu.memory_space<vmem>>) target_semaphore(%dma_start3A_293 : memref<!tpu.dma_semaphore, #tpu.memory_space<semaphore_mem>>)
    %dma_wait3A = arith.constant 0 : i32
    %dma_wait3A_301 = arith.constant 0 : i32
    %dma_wait3A_302 = tpu.memref_slice %arg7[%dma_wait3A_301] : memref<16x!tpu.dma_semaphore, #tpu.memory_space<semaphore_mem>> -> memref<1x!tpu.dma_semaphore, #tpu.memory_space<semaphore_mem>>
    %dma_wait3A_303 = tpu.memref_squeeze %dma_wait3A_302 : memref<1x!tpu.dma_semaphore, #tpu.memory_space<semaphore_mem>> -> memref<!tpu.dma_semaphore, #tpu.memory_space<semaphore_mem>>
    %dma_wait3A_304 = arith.constant 0 : i32
    %dma_wait3A_305 = arith.constant 0 : i32
    %dma_wait3A_306 = tpu.memref_slice %arg6[%dma_wait3A, %dma_wait3A_304, %dma_wait3A_305] : memref<16x16x6400xf32, #tpu.memory_space<vmem>> -> memref<1x16x6400xf32, #tpu.memory_space<vmem>>
    %dma_wait3A_307 = tpu.memref_squeeze %dma_wait3A_306 : memref<1x16x6400xf32, #tpu.memory_space<vmem>> -> memref<16x6400xf32, #tpu.memory_space<vmem>>
    %dma_wait3A_308 = arith.constant 0 : i32
    %dma_wait3A_309 = arith.constant 0 : i32
    %dma_wait3A_310 = tpu.memref_slice %arg1[%dma_wait3A_308, %dma_wait3A_309] : memref<16x100000xf32, #tpu.memory_space<any>> -> memref<16x6400xf32, #tpu.memory_space<any>>
    tpu.wait_dma2 semaphore(%dma_wait3A_303 : memref<!tpu.dma_semaphore, #tpu.memory_space<semaphore_mem>>) src(%dma_wait3A_310 : memref<16x6400xf32, #tpu.memory_space<any>>) dst(%dma_wait3A_307 : memref<16x6400xf32, #tpu.memory_space<vmem>>)
    %get3A_311 = arith.constant 0 : index
    %get3A_312 = arith.constant 0 : index
    %get3A_313 = arith.constant 0 : index
    %get3A_314 = vector.load %arg6[%get3A_311, %get3A_312, %get3A_313] : memref<16x16x6400xf32, #tpu.memory_space<vmem>>, vector<1x16x6400xf32>
    %get3A_315 = vector.shape_cast %get3A_314 : vector<1x16x6400xf32> to vector<16x6400xf32>
    %mul3A = vector.broadcast %select_n3A_125 : vector<16x1xf32> to vector<16x6400xf32>
    %mul3A_316 = arith.mulf %get3A_315, %mul3A : vector<16x6400xf32>
    %reduce_sum3A = arith.constant dense<0.000000e+00> : vector<6400xf32>
    %reduce_sum3A_317 = vector.multi_reduction <add>, %mul3A_316, %reduce_sum3A [0] : vector<16x6400xf32> to vector<6400xf32>
    %get3A_318 = arith.constant 0 : index
    %get3A_319 = memref.load %arg3[%get3A_318] : memref<1xf32, #tpu.memory_space<smem>>
    %add3A = vector.broadcast %get3A_319 : f32 to vector<6400xf32>
    %add3A_320 = arith.addf %reduce_sum3A_317, %add3A : vector<6400xf32>
    %swap3A = arith.constant 0 : index
    %swap3A_321 = vector.load %arg5[%swap3A] : memref<102400xf32, #tpu.memory_space<vmem>>, vector<6400xf32>
    tpu.vector_store %arg5[%swap3A], %add3A_320 {strides = array<i32>} : memref<102400xf32, #tpu.memory_space<vmem>>, vector<6400xf32>,
    %dma_wait3A_322 = arith.constant 1 : i32
    %dma_wait3A_323 = arith.constant 1 : i32
    %dma_wait3A_324 = tpu.memref_slice %arg7[%dma_wait3A_323] : memref<16x!tpu.dma_semaphore, #tpu.memory_space<semaphore_mem>> -> memref<1x!tpu.dma_semaphore, #tpu.memory_space<semaphore_mem>>
    %dma_wait3A_325 = tpu.memref_squeeze %dma_wait3A_324 : memref<1x!tpu.dma_semaphore, #tpu.memory_space<semaphore_mem>> -> memref<!tpu.dma_semaphore, #tpu.memory_space<semaphore_mem>>
    %dma_wait3A_326 = arith.constant 0 : i32
    %dma_wait3A_327 = arith.constant 0 : i32
    %dma_wait3A_328 = tpu.memref_slice %arg6[%dma_wait3A_322, %dma_wait3A_326, %dma_wait3A_327] : memref<16x16x6400xf32, #tpu.memory_space<vmem>> -> memref<1x16x6400xf32, #tpu.memory_space<vmem>>
    %dma_wait3A_329 = tpu.memref_squeeze %dma_wait3A_328 : memref<1x16x6400xf32, #tpu.memory_space<vmem>> -> memref<16x6400xf32, #tpu.memory_space<vmem>>
    %dma_wait3A_330 = arith.constant 0 : i32
    %dma_wait3A_331 = arith.constant 6400 : i32
    %dma_wait3A_332 = tpu.memref_slice %arg1[%dma_wait3A_330, %dma_wait3A_331] : memref<16x100000xf32, #tpu.memory_space<any>> -> memref<16x6400xf32, #tpu.memory_space<any>>
    tpu.wait_dma2 semaphore(%dma_wait3A_325 : memref<!tpu.dma_semaphore, #tpu.memory_space<semaphore_mem>>) src(%dma_wait3A_332 : memref<16x6400xf32, #tpu.memory_space<any>>) dst(%dma_wait3A_329 : memref<16x6400xf32, #tpu.memory_space<vmem>>)
    %get3A_333 = arith.constant 1 : index
    %get3A_334 = arith.constant 0 : index
    %get3A_335 = arith.constant 0 : index
    %get3A_336 = vector.load %arg6[%get3A_333, %get3A_334, %get3A_335] : memref<16x16x6400xf32, #tpu.memory_space<vmem>>, vector<1x16x6400xf32>
    %get3A_337 = vector.shape_cast %get3A_336 : vector<1x16x6400xf32> to vector<16x6400xf32>
    %mul3A_338 = vector.broadcast %select_n3A_125 : vector<16x1xf32> to vector<16x6400xf32>
    %mul3A_339 = arith.mulf %get3A_337, %mul3A_338 : vector<16x6400xf32>
    %reduce_sum3A_340 = arith.constant dense<0.000000e+00> : vector<6400xf32>
    %reduce_sum3A_341 = vector.multi_reduction <add>, %mul3A_339, %reduce_sum3A_340 [0] : vector<16x6400xf32> to vector<6400xf32>
    %get3A_342 = arith.constant 0 : index
    %get3A_343 = memref.load %arg3[%get3A_342] : memref<1xf32, #tpu.memory_space<smem>>
    %add3A_344 = vector.broadcast %get3A_343 : f32 to vector<6400xf32>
    %add3A_345 = arith.addf %reduce_sum3A_341, %add3A_344 : vector<6400xf32>
    %swap3A_346 = arith.constant 6400 : index
    %swap3A_347 = vector.load %arg5[%swap3A_346] : memref<102400xf32, #tpu.memory_space<vmem>>, vector<6400xf32>
    tpu.vector_store %arg5[%swap3A_346], %add3A_345 {strides = array<i32>} : memref<102400xf32, #tpu.memory_space<vmem>>, vector<6400xf32>,
    %dma_wait3A_348 = arith.constant 2 : i32
    %dma_wait3A_349 = arith.constant 2 : i32
    %dma_wait3A_350 = tpu.memref_slice %arg7[%dma_wait3A_349] : memref<16x!tpu.dma_semaphore, #tpu.memory_space<semaphore_mem>> -> memref<1x!tpu.dma_semaphore, #tpu.memory_space<semaphore_mem>>
    %dma_wait3A_351 = tpu.memref_squeeze %dma_wait3A_350 : memref<1x!tpu.dma_semaphore, #tpu.memory_space<semaphore_mem>> -> memref<!tpu.dma_semaphore, #tpu.memory_space<semaphore_mem>>
    %dma_wait3A_352 = arith.constant 0 : i32
    %dma_wait3A_353 = arith.constant 0 : i32
    %dma_wait3A_354 = tpu.memref_slice %arg6[%dma_wait3A_348, %dma_wait3A_352, %dma_wait3A_353] : memref<16x16x6400xf32, #tpu.memory_space<vmem>> -> memref<1x16x6400xf32, #tpu.memory_space<vmem>>
    %dma_wait3A_355 = tpu.memref_squeeze %dma_wait3A_354 : memref<1x16x6400xf32, #tpu.memory_space<vmem>> -> memref<16x6400xf32, #tpu.memory_space<vmem>>
    %dma_wait3A_356 = arith.constant 0 : i32
    %dma_wait3A_357 = arith.constant 12800 : i32
    %dma_wait3A_358 = tpu.memref_slice %arg1[%dma_wait3A_356, %dma_wait3A_357] : memref<16x100000xf32, #tpu.memory_space<any>> -> memref<16x6400xf32, #tpu.memory_space<any>>
    tpu.wait_dma2 semaphore(%dma_wait3A_351 : memref<!tpu.dma_semaphore, #tpu.memory_space<semaphore_mem>>) src(%dma_wait3A_358 : memref<16x6400xf32, #tpu.memory_space<any>>) dst(%dma_wait3A_355 : memref<16x6400xf32, #tpu.memory_space<vmem>>)
    %get3A_359 = arith.constant 2 : index
    %get3A_360 = arith.constant 0 : index
    %get3A_361 = arith.constant 0 : index
    %get3A_362 = vector.load %arg6[%get3A_359, %get3A_360, %get3A_361] : memref<16x16x6400xf32, #tpu.memory_space<vmem>>, vector<1x16x6400xf32>
    %get3A_363 = vector.shape_cast %get3A_362 : vector<1x16x6400xf32> to vector<16x6400xf32>
    %mul3A_364 = vector.broadcast %select_n3A_125 : vector<16x1xf32> to vector<16x6400xf32>
    %mul3A_365 = arith.mulf %get3A_363, %mul3A_364 : vector<16x6400xf32>
    %reduce_sum3A_366 = arith.constant dense<0.000000e+00> : vector<6400xf32>
    %reduce_sum3A_367 = vector.multi_reduction <add>, %mul3A_365, %reduce_sum3A_366 [0] : vector<16x6400xf32> to vector<6400xf32>
    %get3A_368 = arith.constant 0 : index
    %get3A_369 = memref.load %arg3[%get3A_368] : memref<1xf32, #tpu.memory_space<smem>>
    %add3A_370 = vector.broadcast %get3A_369 : f32 to vector<6400xf32>
    %add3A_371 = arith.addf %reduce_sum3A_367, %add3A_370 : vector<6400xf32>
    %swap3A_372 = arith.constant 12800 : index
    %swap3A_373 = vector.load %arg5[%swap3A_372] : memref<102400xf32, #tpu.memory_space<vmem>>, vector<6400xf32>
    tpu.vector_store %arg5[%swap3A_372], %add3A_371 {strides = array<i32>} : memref<102400xf32, #tpu.memory_space<vmem>>, vector<6400xf32>,
    %dma_wait3A_374 = arith.constant 3 : i32
    %dma_wait3A_375 = arith.constant 3 : i32
    %dma_wait3A_376 = tpu.memref_slice %arg7[%dma_wait3A_375] : memref<16x!tpu.dma_semaphore, #tpu.memory_space<semaphore_mem>> -> memref<1x!tpu.dma_semaphore, #tpu.memory_space<semaphore_mem>>
    %dma_wait3A_377 = tpu.memref_squeeze %dma_wait3A_376 : memref<1x!tpu.dma_semaphore, #tpu.memory_space<semaphore_mem>> -> memref<!tpu.dma_semaphore, #tpu.memory_space<semaphore_mem>>
    %dma_wait3A_378 = arith.constant 0 : i32
    %dma_wait3A_379 = arith.constant 0 : i32
    %dma_wait3A_380 = tpu.memref_slice %arg6[%dma_wait3A_374, %dma_wait3A_378, %dma_wait3A_379] : memref<16x16x6400xf32, #tpu.memory_space<vmem>> -> memref<1x16x6400xf32, #tpu.memory_space<vmem>>
    %dma_wait3A_381 = tpu.memref_squeeze %dma_wait3A_380 : memref<1x16x6400xf32, #tpu.memory_space<vmem>> -> memref<16x6400xf32, #tpu.memory_space<vmem>>
    %dma_wait3A_382 = arith.constant 0 : i32
    %dma_wait3A_383 = arith.constant 19200 : i32
    %dma_wait3A_384 = tpu.memref_slice %arg1[%dma_wait3A_382, %dma_wait3A_383] : memref<16x100000xf32, #tpu.memory_space<any>> -> memref<16x6400xf32, #tpu.memory_space<any>>
    tpu.wait_dma2 semaphore(%dma_wait3A_377 : memref<!tpu.dma_semaphore, #tpu.memory_space<semaphore_mem>>) src(%dma_wait3A_384 : memref<16x6400xf32, #tpu.memory_space<any>>) dst(%dma_wait3A_381 : memref<16x6400xf32, #tpu.memory_space<vmem>>)
    %get3A_385 = arith.constant 3 : index
    %get3A_386 = arith.constant 0 : index
    %get3A_387 = arith.constant 0 : index
    %get3A_388 = vector.load %arg6[%get3A_385, %get3A_386, %get3A_387] : memref<16x16x6400xf32, #tpu.memory_space<vmem>>, vector<1x16x6400xf32>
    %get3A_389 = vector.shape_cast %get3A_388 : vector<1x16x6400xf32> to vector<16x6400xf32>
    %mul3A_390 = vector.broadcast %select_n3A_125 : vector<16x1xf32> to vector<16x6400xf32>
    %mul3A_391 = arith.mulf %get3A_389, %mul3A_390 : vector<16x6400xf32>
    %reduce_sum3A_392 = arith.constant dense<0.000000e+00> : vector<6400xf32>
    %reduce_sum3A_393 = vector.multi_reduction <add>, %mul3A_391, %reduce_sum3A_392 [0] : vector<16x6400xf32> to vector<6400xf32>
    %get3A_394 = arith.constant 0 : index
    %get3A_395 = memref.load %arg3[%get3A_394] : memref<1xf32, #tpu.memory_space<smem>>
    %add3A_396 = vector.broadcast %get3A_395 : f32 to vector<6400xf32>
    %add3A_397 = arith.addf %reduce_sum3A_393, %add3A_396 : vector<6400xf32>
    %swap3A_398 = arith.constant 19200 : index
    %swap3A_399 = vector.load %arg5[%swap3A_398] : memref<102400xf32, #tpu.memory_space<vmem>>, vector<6400xf32>
    tpu.vector_store %arg5[%swap3A_398], %add3A_397 {strides = array<i32>} : memref<102400xf32, #tpu.memory_space<vmem>>, vector<6400xf32>,
    %dma_wait3A_400 = arith.constant 4 : i32
    %dma_wait3A_401 = arith.constant 4 : i32
    %dma_wait3A_402 = tpu.memref_slice %arg7[%dma_wait3A_401] : memref<16x!tpu.dma_semaphore, #tpu.memory_space<semaphore_mem>> -> memref<1x!tpu.dma_semaphore, #tpu.memory_space<semaphore_mem>>
    %dma_wait3A_403 = tpu.memref_squeeze %dma_wait3A_402 : memref<1x!tpu.dma_semaphore, #tpu.memory_space<semaphore_mem>> -> memref<!tpu.dma_semaphore, #tpu.memory_space<semaphore_mem>>
    %dma_wait3A_404 = arith.constant 0 : i32
    %dma_wait3A_405 = arith.constant 0 : i32
    %dma_wait3A_406 = tpu.memref_slice %arg6[%dma_wait3A_400, %dma_wait3A_404, %dma_wait3A_405] : memref<16x16x6400xf32, #tpu.memory_space<vmem>> -> memref<1x16x6400xf32, #tpu.memory_space<vmem>>
    %dma_wait3A_407 = tpu.memref_squeeze %dma_wait3A_406 : memref<1x16x6400xf32, #tpu.memory_space<vmem>> -> memref<16x6400xf32, #tpu.memory_space<vmem>>
    %dma_wait3A_408 = arith.constant 0 : i32
    %dma_wait3A_409 = arith.constant 25600 : i32
    %dma_wait3A_410 = tpu.memref_slice %arg1[%dma_wait3A_408, %dma_wait3A_409] : memref<16x100000xf32, #tpu.memory_space<any>> -> memref<16x6400xf32, #tpu.memory_space<any>>
    tpu.wait_dma2 semaphore(%dma_wait3A_403 : memref<!tpu.dma_semaphore, #tpu.memory_space<semaphore_mem>>) src(%dma_wait3A_410 : memref<16x6400xf32, #tpu.memory_space<any>>) dst(%dma_wait3A_407 : memref<16x6400xf32, #tpu.memory_space<vmem>>)
    %get3A_411 = arith.constant 4 : index
    %get3A_412 = arith.constant 0 : index
    %get3A_413 = arith.constant 0 : index
    %get3A_414 = vector.load %arg6[%get3A_411, %get3A_412, %get3A_413] : memref<16x16x6400xf32, #tpu.memory_space<vmem>>, vector<1x16x6400xf32>
    %get3A_415 = vector.shape_cast %get3A_414 : vector<1x16x6400xf32> to vector<16x6400xf32>
    %mul3A_416 = vector.broadcast %select_n3A_125 : vector<16x1xf32> to vector<16x6400xf32>
    %mul3A_417 = arith.mulf %get3A_415, %mul3A_416 : vector<16x6400xf32>
    %reduce_sum3A_418 = arith.constant dense<0.000000e+00> : vector<6400xf32>
    %reduce_sum3A_419 = vector.multi_reduction <add>, %mul3A_417, %reduce_sum3A_418 [0] : vector<16x6400xf32> to vector<6400xf32>
    %get3A_420 = arith.constant 0 : index
    %get3A_421 = memref.load %arg3[%get3A_420] : memref<1xf32, #tpu.memory_space<smem>>
    %add3A_422 = vector.broadcast %get3A_421 : f32 to vector<6400xf32>
    %add3A_423 = arith.addf %reduce_sum3A_419, %add3A_422 : vector<6400xf32>
    %swap3A_424 = arith.constant 25600 : index
    %swap3A_425 = vector.load %arg5[%swap3A_424] : memref<102400xf32, #tpu.memory_space<vmem>>, vector<6400xf32>
    tpu.vector_store %arg5[%swap3A_424], %add3A_423 {strides = array<i32>} : memref<102400xf32, #tpu.memory_space<vmem>>, vector<6400xf32>,
    %dma_wait3A_426 = arith.constant 5 : i32
    %dma_wait3A_427 = arith.constant 5 : i32
    %dma_wait3A_428 = tpu.memref_slice %arg7[%dma_wait3A_427] : memref<16x!tpu.dma_semaphore, #tpu.memory_space<semaphore_mem>> -> memref<1x!tpu.dma_semaphore, #tpu.memory_space<semaphore_mem>>
    %dma_wait3A_429 = tpu.memref_squeeze %dma_wait3A_428 : memref<1x!tpu.dma_semaphore, #tpu.memory_space<semaphore_mem>> -> memref<!tpu.dma_semaphore, #tpu.memory_space<semaphore_mem>>
    %dma_wait3A_430 = arith.constant 0 : i32
    %dma_wait3A_431 = arith.constant 0 : i32
    %dma_wait3A_432 = tpu.memref_slice %arg6[%dma_wait3A_426, %dma_wait3A_430, %dma_wait3A_431] : memref<16x16x6400xf32, #tpu.memory_space<vmem>> -> memref<1x16x6400xf32, #tpu.memory_space<vmem>>
    %dma_wait3A_433 = tpu.memref_squeeze %dma_wait3A_432 : memref<1x16x6400xf32, #tpu.memory_space<vmem>> -> memref<16x6400xf32, #tpu.memory_space<vmem>>
    %dma_wait3A_434 = arith.constant 0 : i32
    %dma_wait3A_435 = arith.constant 32000 : i32
    %dma_wait3A_436 = tpu.memref_slice %arg1[%dma_wait3A_434, %dma_wait3A_435] : memref<16x100000xf32, #tpu.memory_space<any>> -> memref<16x6400xf32, #tpu.memory_space<any>>
    tpu.wait_dma2 semaphore(%dma_wait3A_429 : memref<!tpu.dma_semaphore, #tpu.memory_space<semaphore_mem>>) src(%dma_wait3A_436 : memref<16x6400xf32, #tpu.memory_space<any>>) dst(%dma_wait3A_433 : memref<16x6400xf32, #tpu.memory_space<vmem>>)
    %get3A_437 = arith.constant 5 : index
    %get3A_438 = arith.constant 0 : index
    %get3A_439 = arith.constant 0 : index
    %get3A_440 = vector.load %arg6[%get3A_437, %get3A_438, %get3A_439] : memref<16x16x6400xf32, #tpu.memory_space<vmem>>, vector<1x16x6400xf32>
    %get3A_441 = vector.shape_cast %get3A_440 : vector<1x16x6400xf32> to vector<16x6400xf32>
    %mul3A_442 = vector.broadcast %select_n3A_125 : vector<16x1xf32> to vector<16x6400xf32>
    %mul3A_443 = arith.mulf %get3A_441, %mul3A_442 : vector<16x6400xf32>
    %reduce_sum3A_444 = arith.constant dense<0.000000e+00> : vector<6400xf32>
    %reduce_sum3A_445 = vector.multi_reduction <add>, %mul3A_443, %reduce_sum3A_444 [0] : vector<16x6400xf32> to vector<6400xf32>
    %get3A_446 = arith.constant 0 : index
    %get3A_447 = memref.load %arg3[%get3A_446] : memref<1xf32, #tpu.memory_space<smem>>
    %add3A_448 = vector.broadcast %get3A_447 : f32 to vector<6400xf32>
    %add3A_449 = arith.addf %reduce_sum3A_445, %add3A_448 : vector<6400xf32>
    %swap3A_450 = arith.constant 32000 : index
    %swap3A_451 = vector.load %arg5[%swap3A_450] : memref<102400xf32, #tpu.memory_space<vmem>>, vector<6400xf32>
    tpu.vector_store %arg5[%swap3A_450], %add3A_449 {strides = array<i32>} : memref<102400xf32, #tpu.memory_space<vmem>>, vector<6400xf32>,
    %dma_wait3A_452 = arith.constant 6 : i32
    %dma_wait3A_453 = arith.constant 6 : i32
    %dma_wait3A_454 = tpu.memref_slice %arg7[%dma_wait3A_453] : memref<16x!tpu.dma_semaphore, #tpu.memory_space<semaphore_mem>> -> memref<1x!tpu.dma_semaphore, #tpu.memory_space<semaphore_mem>>
    %dma_wait3A_455 = tpu.memref_squeeze %dma_wait3A_454 : memref<1x!tpu.dma_semaphore, #tpu.memory_space<semaphore_mem>> -> memref<!tpu.dma_semaphore, #tpu.memory_space<semaphore_mem>>
    %dma_wait3A_456 = arith.constant 0 : i32
    %dma_wait3A_457 = arith.constant 0 : i32
    %dma_wait3A_458 = tpu.memref_slice %arg6[%dma_wait3A_452, %dma_wait3A_456, %dma_wait3A_457] : memref<16x16x6400xf32, #tpu.memory_space<vmem>> -> memref<1x16x6400xf32, #tpu.memory_space<vmem>>
    %dma_wait3A_459 = tpu.memref_squeeze %dma_wait3A_458 : memref<1x16x6400xf32, #tpu.memory_space<vmem>> -> memref<16x6400xf32, #tpu.memory_space<vmem>>
    %dma_wait3A_460 = arith.constant 0 : i32
    %dma_wait3A_461 = arith.constant 38400 : i32
    %dma_wait3A_462 = tpu.memref_slice %arg1[%dma_wait3A_460, %dma_wait3A_461] : memref<16x100000xf32, #tpu.memory_space<any>> -> memref<16x6400xf32, #tpu.memory_space<any>>
    tpu.wait_dma2 semaphore(%dma_wait3A_455 : memref<!tpu.dma_semaphore, #tpu.memory_space<semaphore_mem>>) src(%dma_wait3A_462 : memref<16x6400xf32, #tpu.memory_space<any>>) dst(%dma_wait3A_459 : memref<16x6400xf32, #tpu.memory_space<vmem>>)
    %get3A_463 = arith.constant 6 : index
    %get3A_464 = arith.constant 0 : index
    %get3A_465 = arith.constant 0 : index
    %get3A_466 = vector.load %arg6[%get3A_463, %get3A_464, %get3A_465] : memref<16x16x6400xf32, #tpu.memory_space<vmem>>, vector<1x16x6400xf32>
    %get3A_467 = vector.shape_cast %get3A_466 : vector<1x16x6400xf32> to vector<16x6400xf32>
    %mul3A_468 = vector.broadcast %select_n3A_125 : vector<16x1xf32> to vector<16x6400xf32>
    %mul3A_469 = arith.mulf %get3A_467, %mul3A_468 : vector<16x6400xf32>
    %reduce_sum3A_470 = arith.constant dense<0.000000e+00> : vector<6400xf32>
    %reduce_sum3A_471 = vector.multi_reduction <add>, %mul3A_469, %reduce_sum3A_470 [0] : vector<16x6400xf32> to vector<6400xf32>
    %get3A_472 = arith.constant 0 : index
    %get3A_473 = memref.load %arg3[%get3A_472] : memref<1xf32, #tpu.memory_space<smem>>
    %add3A_474 = vector.broadcast %get3A_473 : f32 to vector<6400xf32>
    %add3A_475 = arith.addf %reduce_sum3A_471, %add3A_474 : vector<6400xf32>
    %swap3A_476 = arith.constant 38400 : index
    %swap3A_477 = vector.load %arg5[%swap3A_476] : memref<102400xf32, #tpu.memory_space<vmem>>, vector<6400xf32>
    tpu.vector_store %arg5[%swap3A_476], %add3A_475 {strides = array<i32>} : memref<102400xf32, #tpu.memory_space<vmem>>, vector<6400xf32>,
    %dma_wait3A_478 = arith.constant 7 : i32
    %dma_wait3A_479 = arith.constant 7 : i32
    %dma_wait3A_480 = tpu.memref_slice %arg7[%dma_wait3A_479] : memref<16x!tpu.dma_semaphore, #tpu.memory_space<semaphore_mem>> -> memref<1x!tpu.dma_semaphore, #tpu.memory_space<semaphore_mem>>
    %dma_wait3A_481 = tpu.memref_squeeze %dma_wait3A_480 : memref<1x!tpu.dma_semaphore, #tpu.memory_space<semaphore_mem>> -> memref<!tpu.dma_semaphore, #tpu.memory_space<semaphore_mem>>
    %dma_wait3A_482 = arith.constant 0 : i32
    %dma_wait3A_483 = arith.constant 0 : i32
    %dma_wait3A_484 = tpu.memref_slice %arg6[%dma_wait3A_478, %dma_wait3A_482, %dma_wait3A_483] : memref<16x16x6400xf32, #tpu.memory_space<vmem>> -> memref<1x16x6400xf32, #tpu.memory_space<vmem>>
    %dma_wait3A_485 = tpu.memref_squeeze %dma_wait3A_484 : memref<1x16x6400xf32, #tpu.memory_space<vmem>> -> memref<16x6400xf32, #tpu.memory_space<vmem>>
    %dma_wait3A_486 = arith.constant 0 : i32
    %dma_wait3A_487 = arith.constant 44800 : i32
    %dma_wait3A_488 = tpu.memref_slice %arg1[%dma_wait3A_486, %dma_wait3A_487] : memref<16x100000xf32, #tpu.memory_space<any>> -> memref<16x6400xf32, #tpu.memory_space<any>>
    tpu.wait_dma2 semaphore(%dma_wait3A_481 : memref<!tpu.dma_semaphore, #tpu.memory_space<semaphore_mem>>) src(%dma_wait3A_488 : memref<16x6400xf32, #tpu.memory_space<any>>) dst(%dma_wait3A_485 : memref<16x6400xf32, #tpu.memory_space<vmem>>)
    %get3A_489 = arith.constant 7 : index
    %get3A_490 = arith.constant 0 : index
    %get3A_491 = arith.constant 0 : index
    %get3A_492 = vector.load %arg6[%get3A_489, %get3A_490, %get3A_491] : memref<16x16x6400xf32, #tpu.memory_space<vmem>>, vector<1x16x6400xf32>
    %get3A_493 = vector.shape_cast %get3A_492 : vector<1x16x6400xf32> to vector<16x6400xf32>
    %mul3A_494 = vector.broadcast %select_n3A_125 : vector<16x1xf32> to vector<16x6400xf32>
    %mul3A_495 = arith.mulf %get3A_493, %mul3A_494 : vector<16x6400xf32>
    %reduce_sum3A_496 = arith.constant dense<0.000000e+00> : vector<6400xf32>
    %reduce_sum3A_497 = vector.multi_reduction <add>, %mul3A_495, %reduce_sum3A_496 [0] : vector<16x6400xf32> to vector<6400xf32>
    %get3A_498 = arith.constant 0 : index
    %get3A_499 = memref.load %arg3[%get3A_498] : memref<1xf32, #tpu.memory_space<smem>>
    %add3A_500 = vector.broadcast %get3A_499 : f32 to vector<6400xf32>
    %add3A_501 = arith.addf %reduce_sum3A_497, %add3A_500 : vector<6400xf32>
    %swap3A_502 = arith.constant 44800 : index
    %swap3A_503 = vector.load %arg5[%swap3A_502] : memref<102400xf32, #tpu.memory_space<vmem>>, vector<6400xf32>
    tpu.vector_store %arg5[%swap3A_502], %add3A_501 {strides = array<i32>} : memref<102400xf32, #tpu.memory_space<vmem>>, vector<6400xf32>,
    %dma_wait3A_504 = arith.constant 8 : i32
    %dma_wait3A_505 = arith.constant 8 : i32
    %dma_wait3A_506 = tpu.memref_slice %arg7[%dma_wait3A_505] : memref<16x!tpu.dma_semaphore, #tpu.memory_space<semaphore_mem>> -> memref<1x!tpu.dma_semaphore, #tpu.memory_space<semaphore_mem>>
    %dma_wait3A_507 = tpu.memref_squeeze %dma_wait3A_506 : memref<1x!tpu.dma_semaphore, #tpu.memory_space<semaphore_mem>> -> memref<!tpu.dma_semaphore, #tpu.memory_space<semaphore_mem>>
    %dma_wait3A_508 = arith.constant 0 : i32
    %dma_wait3A_509 = arith.constant 0 : i32
    %dma_wait3A_510 = tpu.memref_slice %arg6[%dma_wait3A_504, %dma_wait3A_508, %dma_wait3A_509] : memref<16x16x6400xf32, #tpu.memory_space<vmem>> -> memref<1x16x6400xf32, #tpu.memory_space<vmem>>
    %dma_wait3A_511 = tpu.memref_squeeze %dma_wait3A_510 : memref<1x16x6400xf32, #tpu.memory_space<vmem>> -> memref<16x6400xf32, #tpu.memory_space<vmem>>
    %dma_wait3A_512 = arith.constant 0 : i32
    %dma_wait3A_513 = arith.constant 51200 : i32
    %dma_wait3A_514 = tpu.memref_slice %arg1[%dma_wait3A_512, %dma_wait3A_513] : memref<16x100000xf32, #tpu.memory_space<any>> -> memref<16x6400xf32, #tpu.memory_space<any>>
    tpu.wait_dma2 semaphore(%dma_wait3A_507 : memref<!tpu.dma_semaphore, #tpu.memory_space<semaphore_mem>>) src(%dma_wait3A_514 : memref<16x6400xf32, #tpu.memory_space<any>>) dst(%dma_wait3A_511 : memref<16x6400xf32, #tpu.memory_space<vmem>>)
    %get3A_515 = arith.constant 8 : index
    %get3A_516 = arith.constant 0 : index
    %get3A_517 = arith.constant 0 : index
    %get3A_518 = vector.load %arg6[%get3A_515, %get3A_516, %get3A_517] : memref<16x16x6400xf32, #tpu.memory_space<vmem>>, vector<1x16x6400xf32>
    %get3A_519 = vector.shape_cast %get3A_518 : vector<1x16x6400xf32> to vector<16x6400xf32>
    %mul3A_520 = vector.broadcast %select_n3A_125 : vector<16x1xf32> to vector<16x6400xf32>
    %mul3A_521 = arith.mulf %get3A_519, %mul3A_520 : vector<16x6400xf32>
    %reduce_sum3A_522 = arith.constant dense<0.000000e+00> : vector<6400xf32>
    %reduce_sum3A_523 = vector.multi_reduction <add>, %mul3A_521, %reduce_sum3A_522 [0] : vector<16x6400xf32> to vector<6400xf32>
    %get3A_524 = arith.constant 0 : index
    %get3A_525 = memref.load %arg3[%get3A_524] : memref<1xf32, #tpu.memory_space<smem>>
    %add3A_526 = vector.broadcast %get3A_525 : f32 to vector<6400xf32>
    %add3A_527 = arith.addf %reduce_sum3A_523, %add3A_526 : vector<6400xf32>
    %swap3A_528 = arith.constant 51200 : index
    %swap3A_529 = vector.load %arg5[%swap3A_528] : memref<102400xf32, #tpu.memory_space<vmem>>, vector<6400xf32>
    tpu.vector_store %arg5[%swap3A_528], %add3A_527 {strides = array<i32>} : memref<102400xf32, #tpu.memory_space<vmem>>, vector<6400xf32>,
    %dma_wait3A_530 = arith.constant 9 : i32
    %dma_wait3A_531 = arith.constant 9 : i32
    %dma_wait3A_532 = tpu.memref_slice %arg7[%dma_wait3A_531] : memref<16x!tpu.dma_semaphore, #tpu.memory_space<semaphore_mem>> -> memref<1x!tpu.dma_semaphore, #tpu.memory_space<semaphore_mem>>
    %dma_wait3A_533 = tpu.memref_squeeze %dma_wait3A_532 : memref<1x!tpu.dma_semaphore, #tpu.memory_space<semaphore_mem>> -> memref<!tpu.dma_semaphore, #tpu.memory_space<semaphore_mem>>
    %dma_wait3A_534 = arith.constant 0 : i32
    %dma_wait3A_535 = arith.constant 0 : i32
    %dma_wait3A_536 = tpu.memref_slice %arg6[%dma_wait3A_530, %dma_wait3A_534, %dma_wait3A_535] : memref<16x16x6400xf32, #tpu.memory_space<vmem>> -> memref<1x16x6400xf32, #tpu.memory_space<vmem>>
    %dma_wait3A_537 = tpu.memref_squeeze %dma_wait3A_536 : memref<1x16x6400xf32, #tpu.memory_space<vmem>> -> memref<16x6400xf32, #tpu.memory_space<vmem>>
    %dma_wait3A_538 = arith.constant 0 : i32
    %dma_wait3A_539 = arith.constant 57600 : i32
    %dma_wait3A_540 = tpu.memref_slice %arg1[%dma_wait3A_538, %dma_wait3A_539] : memref<16x100000xf32, #tpu.memory_space<any>> -> memref<16x6400xf32, #tpu.memory_space<any>>
    tpu.wait_dma2 semaphore(%dma_wait3A_533 : memref<!tpu.dma_semaphore, #tpu.memory_space<semaphore_mem>>) src(%dma_wait3A_540 : memref<16x6400xf32, #tpu.memory_space<any>>) dst(%dma_wait3A_537 : memref<16x6400xf32, #tpu.memory_space<vmem>>)
    %get3A_541 = arith.constant 9 : index
    %get3A_542 = arith.constant 0 : index
    %get3A_543 = arith.constant 0 : index
    %get3A_544 = vector.load %arg6[%get3A_541, %get3A_542, %get3A_543] : memref<16x16x6400xf32, #tpu.memory_space<vmem>>, vector<1x16x6400xf32>
    %get3A_545 = vector.shape_cast %get3A_544 : vector<1x16x6400xf32> to vector<16x6400xf32>
    %mul3A_546 = vector.broadcast %select_n3A_125 : vector<16x1xf32> to vector<16x6400xf32>
    %mul3A_547 = arith.mulf %get3A_545, %mul3A_546 : vector<16x6400xf32>
    %reduce_sum3A_548 = arith.constant dense<0.000000e+00> : vector<6400xf32>
    %reduce_sum3A_549 = vector.multi_reduction <add>, %mul3A_547, %reduce_sum3A_548 [0] : vector<16x6400xf32> to vector<6400xf32>
    %get3A_550 = arith.constant 0 : index
    %get3A_551 = memref.load %arg3[%get3A_550] : memref<1xf32, #tpu.memory_space<smem>>
    %add3A_552 = vector.broadcast %get3A_551 : f32 to vector<6400xf32>
    %add3A_553 = arith.addf %reduce_sum3A_549, %add3A_552 : vector<6400xf32>
    %swap3A_554 = arith.constant 57600 : index
    %swap3A_555 = vector.load %arg5[%swap3A_554] : memref<102400xf32, #tpu.memory_space<vmem>>, vector<6400xf32>
    tpu.vector_store %arg5[%swap3A_554], %add3A_553 {strides = array<i32>} : memref<102400xf32, #tpu.memory_space<vmem>>, vector<6400xf32>,
    %dma_wait3A_556 = arith.constant 10 : i32
    %dma_wait3A_557 = arith.constant 10 : i32
    %dma_wait3A_558 = tpu.memref_slice %arg7[%dma_wait3A_557] : memref<16x!tpu.dma_semaphore, #tpu.memory_space<semaphore_mem>> -> memref<1x!tpu.dma_semaphore, #tpu.memory_space<semaphore_mem>>
    %dma_wait3A_559 = tpu.memref_squeeze %dma_wait3A_558 : memref<1x!tpu.dma_semaphore, #tpu.memory_space<semaphore_mem>> -> memref<!tpu.dma_semaphore, #tpu.memory_space<semaphore_mem>>
    %dma_wait3A_560 = arith.constant 0 : i32
    %dma_wait3A_561 = arith.constant 0 : i32
    %dma_wait3A_562 = tpu.memref_slice %arg6[%dma_wait3A_556, %dma_wait3A_560, %dma_wait3A_561] : memref<16x16x6400xf32, #tpu.memory_space<vmem>> -> memref<1x16x6400xf32, #tpu.memory_space<vmem>>
    %dma_wait3A_563 = tpu.memref_squeeze %dma_wait3A_562 : memref<1x16x6400xf32, #tpu.memory_space<vmem>> -> memref<16x6400xf32, #tpu.memory_space<vmem>>
    %dma_wait3A_564 = arith.constant 0 : i32
    %dma_wait3A_565 = arith.constant 64000 : i32
    %dma_wait3A_566 = tpu.memref_slice %arg1[%dma_wait3A_564, %dma_wait3A_565] : memref<16x100000xf32, #tpu.memory_space<any>> -> memref<16x6400xf32, #tpu.memory_space<any>>
    tpu.wait_dma2 semaphore(%dma_wait3A_559 : memref<!tpu.dma_semaphore, #tpu.memory_space<semaphore_mem>>) src(%dma_wait3A_566 : memref<16x6400xf32, #tpu.memory_space<any>>) dst(%dma_wait3A_563 : memref<16x6400xf32, #tpu.memory_space<vmem>>)
    %get3A_567 = arith.constant 10 : index
    %get3A_568 = arith.constant 0 : index
    %get3A_569 = arith.constant 0 : index
    %get3A_570 = vector.load %arg6[%get3A_567, %get3A_568, %get3A_569] : memref<16x16x6400xf32, #tpu.memory_space<vmem>>, vector<1x16x6400xf32>
    %get3A_571 = vector.shape_cast %get3A_570 : vector<1x16x6400xf32> to vector<16x6400xf32>
    %mul3A_572 = vector.broadcast %select_n3A_125 : vector<16x1xf32> to vector<16x6400xf32>
    %mul3A_573 = arith.mulf %get3A_571, %mul3A_572 : vector<16x6400xf32>
    %reduce_sum3A_574 = arith.constant dense<0.000000e+00> : vector<6400xf32>
    %reduce_sum3A_575 = vector.multi_reduction <add>, %mul3A_573, %reduce_sum3A_574 [0] : vector<16x6400xf32> to vector<6400xf32>
    %get3A_576 = arith.constant 0 : index
    %get3A_577 = memref.load %arg3[%get3A_576] : memref<1xf32, #tpu.memory_space<smem>>
    %add3A_578 = vector.broadcast %get3A_577 : f32 to vector<6400xf32>
    %add3A_579 = arith.addf %reduce_sum3A_575, %add3A_578 : vector<6400xf32>
    %swap3A_580 = arith.constant 64000 : index
    %swap3A_581 = vector.load %arg5[%swap3A_580] : memref<102400xf32, #tpu.memory_space<vmem>>, vector<6400xf32>
    tpu.vector_store %arg5[%swap3A_580], %add3A_579 {strides = array<i32>} : memref<102400xf32, #tpu.memory_space<vmem>>, vector<6400xf32>,
    %dma_wait3A_582 = arith.constant 11 : i32
    %dma_wait3A_583 = arith.constant 11 : i32
    %dma_wait3A_584 = tpu.memref_slice %arg7[%dma_wait3A_583] : memref<16x!tpu.dma_semaphore, #tpu.memory_space<semaphore_mem>> -> memref<1x!tpu.dma_semaphore, #tpu.memory_space<semaphore_mem>>
    %dma_wait3A_585 = tpu.memref_squeeze %dma_wait3A_584 : memref<1x!tpu.dma_semaphore, #tpu.memory_space<semaphore_mem>> -> memref<!tpu.dma_semaphore, #tpu.memory_space<semaphore_mem>>
    %dma_wait3A_586 = arith.constant 0 : i32
    %dma_wait3A_587 = arith.constant 0 : i32
    %dma_wait3A_588 = tpu.memref_slice %arg6[%dma_wait3A_582, %dma_wait3A_586, %dma_wait3A_587] : memref<16x16x6400xf32, #tpu.memory_space<vmem>> -> memref<1x16x6400xf32, #tpu.memory_space<vmem>>
    %dma_wait3A_589 = tpu.memref_squeeze %dma_wait3A_588 : memref<1x16x6400xf32, #tpu.memory_space<vmem>> -> memref<16x6400xf32, #tpu.memory_space<vmem>>
    %dma_wait3A_590 = arith.constant 0 : i32
    %dma_wait3A_591 = arith.constant 70400 : i32
    %dma_wait3A_592 = tpu.memref_slice %arg1[%dma_wait3A_590, %dma_wait3A_591] : memref<16x100000xf32, #tpu.memory_space<any>> -> memref<16x6400xf32, #tpu.memory_space<any>>
    tpu.wait_dma2 semaphore(%dma_wait3A_585 : memref<!tpu.dma_semaphore, #tpu.memory_space<semaphore_mem>>) src(%dma_wait3A_592 : memref<16x6400xf32, #tpu.memory_space<any>>) dst(%dma_wait3A_589 : memref<16x6400xf32, #tpu.memory_space<vmem>>)
    %get3A_593 = arith.constant 11 : index
    %get3A_594 = arith.constant 0 : index
    %get3A_595 = arith.constant 0 : index
    %get3A_596 = vector.load %arg6[%get3A_593, %get3A_594, %get3A_595] : memref<16x16x6400xf32, #tpu.memory_space<vmem>>, vector<1x16x6400xf32>
    %get3A_597 = vector.shape_cast %get3A_596 : vector<1x16x6400xf32> to vector<16x6400xf32>
    %mul3A_598 = vector.broadcast %select_n3A_125 : vector<16x1xf32> to vector<16x6400xf32>
    %mul3A_599 = arith.mulf %get3A_597, %mul3A_598 : vector<16x6400xf32>
    %reduce_sum3A_600 = arith.constant dense<0.000000e+00> : vector<6400xf32>
    %reduce_sum3A_601 = vector.multi_reduction <add>, %mul3A_599, %reduce_sum3A_600 [0] : vector<16x6400xf32> to vector<6400xf32>
    %get3A_602 = arith.constant 0 : index
    %get3A_603 = memref.load %arg3[%get3A_602] : memref<1xf32, #tpu.memory_space<smem>>
    %add3A_604 = vector.broadcast %get3A_603 : f32 to vector<6400xf32>
    %add3A_605 = arith.addf %reduce_sum3A_601, %add3A_604 : vector<6400xf32>
    %swap3A_606 = arith.constant 70400 : index
    %swap3A_607 = vector.load %arg5[%swap3A_606] : memref<102400xf32, #tpu.memory_space<vmem>>, vector<6400xf32>
    tpu.vector_store %arg5[%swap3A_606], %add3A_605 {strides = array<i32>} : memref<102400xf32, #tpu.memory_space<vmem>>, vector<6400xf32>,
    %dma_wait3A_608 = arith.constant 12 : i32
    %dma_wait3A_609 = arith.constant 12 : i32
    %dma_wait3A_610 = tpu.memref_slice %arg7[%dma_wait3A_609] : memref<16x!tpu.dma_semaphore, #tpu.memory_space<semaphore_mem>> -> memref<1x!tpu.dma_semaphore, #tpu.memory_space<semaphore_mem>>
    %dma_wait3A_611 = tpu.memref_squeeze %dma_wait3A_610 : memref<1x!tpu.dma_semaphore, #tpu.memory_space<semaphore_mem>> -> memref<!tpu.dma_semaphore, #tpu.memory_space<semaphore_mem>>
    %dma_wait3A_612 = arith.constant 0 : i32
    %dma_wait3A_613 = arith.constant 0 : i32
    %dma_wait3A_614 = tpu.memref_slice %arg6[%dma_wait3A_608, %dma_wait3A_612, %dma_wait3A_613] : memref<16x16x6400xf32, #tpu.memory_space<vmem>> -> memref<1x16x6400xf32, #tpu.memory_space<vmem>>
    %dma_wait3A_615 = tpu.memref_squeeze %dma_wait3A_614 : memref<1x16x6400xf32, #tpu.memory_space<vmem>> -> memref<16x6400xf32, #tpu.memory_space<vmem>>
    %dma_wait3A_616 = arith.constant 0 : i32
    %dma_wait3A_617 = arith.constant 76800 : i32
    %dma_wait3A_618 = tpu.memref_slice %arg1[%dma_wait3A_616, %dma_wait3A_617] : memref<16x100000xf32, #tpu.memory_space<any>> -> memref<16x6400xf32, #tpu.memory_space<any>>
    tpu.wait_dma2 semaphore(%dma_wait3A_611 : memref<!tpu.dma_semaphore, #tpu.memory_space<semaphore_mem>>) src(%dma_wait3A_618 : memref<16x6400xf32, #tpu.memory_space<any>>) dst(%dma_wait3A_615 : memref<16x6400xf32, #tpu.memory_space<vmem>>)
    %get3A_619 = arith.constant 12 : index
    %get3A_620 = arith.constant 0 : index
    %get3A_621 = arith.constant 0 : index
    %get3A_622 = vector.load %arg6[%get3A_619, %get3A_620, %get3A_621] : memref<16x16x6400xf32, #tpu.memory_space<vmem>>, vector<1x16x6400xf32>
    %get3A_623 = vector.shape_cast %get3A_622 : vector<1x16x6400xf32> to vector<16x6400xf32>
    %mul3A_624 = vector.broadcast %select_n3A_125 : vector<16x1xf32> to vector<16x6400xf32>
    %mul3A_625 = arith.mulf %get3A_623, %mul3A_624 : vector<16x6400xf32>
    %reduce_sum3A_626 = arith.constant dense<0.000000e+00> : vector<6400xf32>
    %reduce_sum3A_627 = vector.multi_reduction <add>, %mul3A_625, %reduce_sum3A_626 [0] : vector<16x6400xf32> to vector<6400xf32>
    %get3A_628 = arith.constant 0 : index
    %get3A_629 = memref.load %arg3[%get3A_628] : memref<1xf32, #tpu.memory_space<smem>>
    %add3A_630 = vector.broadcast %get3A_629 : f32 to vector<6400xf32>
    %add3A_631 = arith.addf %reduce_sum3A_627, %add3A_630 : vector<6400xf32>
    %swap3A_632 = arith.constant 76800 : index
    %swap3A_633 = vector.load %arg5[%swap3A_632] : memref<102400xf32, #tpu.memory_space<vmem>>, vector<6400xf32>
    tpu.vector_store %arg5[%swap3A_632], %add3A_631 {strides = array<i32>} : memref<102400xf32, #tpu.memory_space<vmem>>, vector<6400xf32>,
    %dma_wait3A_634 = arith.constant 13 : i32
    %dma_wait3A_635 = arith.constant 13 : i32
    %dma_wait3A_636 = tpu.memref_slice %arg7[%dma_wait3A_635] : memref<16x!tpu.dma_semaphore, #tpu.memory_space<semaphore_mem>> -> memref<1x!tpu.dma_semaphore, #tpu.memory_space<semaphore_mem>>
    %dma_wait3A_637 = tpu.memref_squeeze %dma_wait3A_636 : memref<1x!tpu.dma_semaphore, #tpu.memory_space<semaphore_mem>> -> memref<!tpu.dma_semaphore, #tpu.memory_space<semaphore_mem>>
    %dma_wait3A_638 = arith.constant 0 : i32
    %dma_wait3A_639 = arith.constant 0 : i32
    %dma_wait3A_640 = tpu.memref_slice %arg6[%dma_wait3A_634, %dma_wait3A_638, %dma_wait3A_639] : memref<16x16x6400xf32, #tpu.memory_space<vmem>> -> memref<1x16x6400xf32, #tpu.memory_space<vmem>>
    %dma_wait3A_641 = tpu.memref_squeeze %dma_wait3A_640 : memref<1x16x6400xf32, #tpu.memory_space<vmem>> -> memref<16x6400xf32, #tpu.memory_space<vmem>>
    %dma_wait3A_642 = arith.constant 0 : i32
    %dma_wait3A_643 = arith.constant 83200 : i32
    %dma_wait3A_644 = tpu.memref_slice %arg1[%dma_wait3A_642, %dma_wait3A_643] : memref<16x100000xf32, #tpu.memory_space<any>> -> memref<16x6400xf32, #tpu.memory_space<any>>
    tpu.wait_dma2 semaphore(%dma_wait3A_637 : memref<!tpu.dma_semaphore, #tpu.memory_space<semaphore_mem>>) src(%dma_wait3A_644 : memref<16x6400xf32, #tpu.memory_space<any>>) dst(%dma_wait3A_641 : memref<16x6400xf32, #tpu.memory_space<vmem>>)
    %get3A_645 = arith.constant 13 : index
    %get3A_646 = arith.constant 0 : index
    %get3A_647 = arith.constant 0 : index
    %get3A_648 = vector.load %arg6[%get3A_645, %get3A_646, %get3A_647] : memref<16x16x6400xf32, #tpu.memory_space<vmem>>, vector<1x16x6400xf32>
    %get3A_649 = vector.shape_cast %get3A_648 : vector<1x16x6400xf32> to vector<16x6400xf32>
    %mul3A_650 = vector.broadcast %select_n3A_125 : vector<16x1xf32> to vector<16x6400xf32>
    %mul3A_651 = arith.mulf %get3A_649, %mul3A_650 : vector<16x6400xf32>
    %reduce_sum3A_652 = arith.constant dense<0.000000e+00> : vector<6400xf32>
    %reduce_sum3A_653 = vector.multi_reduction <add>, %mul3A_651, %reduce_sum3A_652 [0] : vector<16x6400xf32> to vector<6400xf32>
    %get3A_654 = arith.constant 0 : index
    %get3A_655 = memref.load %arg3[%get3A_654] : memref<1xf32, #tpu.memory_space<smem>>
    %add3A_656 = vector.broadcast %get3A_655 : f32 to vector<6400xf32>
    %add3A_657 = arith.addf %reduce_sum3A_653, %add3A_656 : vector<6400xf32>
    %swap3A_658 = arith.constant 83200 : index
    %swap3A_659 = vector.load %arg5[%swap3A_658] : memref<102400xf32, #tpu.memory_space<vmem>>, vector<6400xf32>
    tpu.vector_store %arg5[%swap3A_658], %add3A_657 {strides = array<i32>} : memref<102400xf32, #tpu.memory_space<vmem>>, vector<6400xf32>,
    %dma_wait3A_660 = arith.constant 14 : i32
    %dma_wait3A_661 = arith.constant 14 : i32
    %dma_wait3A_662 = tpu.memref_slice %arg7[%dma_wait3A_661] : memref<16x!tpu.dma_semaphore, #tpu.memory_space<semaphore_mem>> -> memref<1x!tpu.dma_semaphore, #tpu.memory_space<semaphore_mem>>
    %dma_wait3A_663 = tpu.memref_squeeze %dma_wait3A_662 : memref<1x!tpu.dma_semaphore, #tpu.memory_space<semaphore_mem>> -> memref<!tpu.dma_semaphore, #tpu.memory_space<semaphore_mem>>
    %dma_wait3A_664 = arith.constant 0 : i32
    %dma_wait3A_665 = arith.constant 0 : i32
    %dma_wait3A_666 = tpu.memref_slice %arg6[%dma_wait3A_660, %dma_wait3A_664, %dma_wait3A_665] : memref<16x16x6400xf32, #tpu.memory_space<vmem>> -> memref<1x16x6400xf32, #tpu.memory_space<vmem>>
    %dma_wait3A_667 = tpu.memref_squeeze %dma_wait3A_666 : memref<1x16x6400xf32, #tpu.memory_space<vmem>> -> memref<16x6400xf32, #tpu.memory_space<vmem>>
    %dma_wait3A_668 = arith.constant 0 : i32
    %dma_wait3A_669 = arith.constant 89600 : i32
    %dma_wait3A_670 = tpu.memref_slice %arg1[%dma_wait3A_668, %dma_wait3A_669] : memref<16x100000xf32, #tpu.memory_space<any>> -> memref<16x6400xf32, #tpu.memory_space<any>>
    tpu.wait_dma2 semaphore(%dma_wait3A_663 : memref<!tpu.dma_semaphore, #tpu.memory_space<semaphore_mem>>) src(%dma_wait3A_670 : memref<16x6400xf32, #tpu.memory_space<any>>) dst(%dma_wait3A_667 : memref<16x6400xf32, #tpu.memory_space<vmem>>)
    %get3A_671 = arith.constant 14 : index
    %get3A_672 = arith.constant 0 : index
    %get3A_673 = arith.constant 0 : index
    %get3A_674 = vector.load %arg6[%get3A_671, %get3A_672, %get3A_673] : memref<16x16x6400xf32, #tpu.memory_space<vmem>>, vector<1x16x6400xf32>
    %get3A_675 = vector.shape_cast %get3A_674 : vector<1x16x6400xf32> to vector<16x6400xf32>
    %mul3A_676 = vector.broadcast %select_n3A_125 : vector<16x1xf32> to vector<16x6400xf32>
    %mul3A_677 = arith.mulf %get3A_675, %mul3A_676 : vector<16x6400xf32>
    %reduce_sum3A_678 = arith.constant dense<0.000000e+00> : vector<6400xf32>
    %reduce_sum3A_679 = vector.multi_reduction <add>, %mul3A_677, %reduce_sum3A_678 [0] : vector<16x6400xf32> to vector<6400xf32>
    %get3A_680 = arith.constant 0 : index
    %get3A_681 = memref.load %arg3[%get3A_680] : memref<1xf32, #tpu.memory_space<smem>>
    %add3A_682 = vector.broadcast %get3A_681 : f32 to vector<6400xf32>
    %add3A_683 = arith.addf %reduce_sum3A_679, %add3A_682 : vector<6400xf32>
    %swap3A_684 = arith.constant 89600 : index
    %swap3A_685 = vector.load %arg5[%swap3A_684] : memref<102400xf32, #tpu.memory_space<vmem>>, vector<6400xf32>
    tpu.vector_store %arg5[%swap3A_684], %add3A_683 {strides = array<i32>} : memref<102400xf32, #tpu.memory_space<vmem>>, vector<6400xf32>,
    %dma_wait3A_686 = arith.constant 15 : i32
    %dma_wait3A_687 = arith.constant 15 : i32
    %dma_wait3A_688 = tpu.memref_slice %arg7[%dma_wait3A_687] : memref<16x!tpu.dma_semaphore, #tpu.memory_space<semaphore_mem>> -> memref<1x!tpu.dma_semaphore, #tpu.memory_space<semaphore_mem>>
    %dma_wait3A_689 = tpu.memref_squeeze %dma_wait3A_688 : memref<1x!tpu.dma_semaphore, #tpu.memory_space<semaphore_mem>> -> memref<!tpu.dma_semaphore, #tpu.memory_space<semaphore_mem>>
    %dma_wait3A_690 = arith.constant 0 : i32
    %dma_wait3A_691 = arith.constant 0 : i32
    %dma_wait3A_692 = tpu.memref_slice %arg6[%dma_wait3A_686, %dma_wait3A_690, %dma_wait3A_691] : memref<16x16x6400xf32, #tpu.memory_space<vmem>> -> memref<1x16x3968xf32, #tpu.memory_space<vmem>>
    %dma_wait3A_693 = tpu.memref_squeeze %dma_wait3A_692 : memref<1x16x3968xf32, #tpu.memory_space<vmem>> -> memref<16x3968xf32, #tpu.memory_space<vmem>>
    %dma_wait3A_694 = arith.constant 0 : i32
    %dma_wait3A_695 = arith.constant 96000 : i32
    %dma_wait3A_696 = tpu.memref_slice %arg1[%dma_wait3A_694, %dma_wait3A_695] : memref<16x100000xf32, #tpu.memory_space<any>> -> memref<16x3968xf32, #tpu.memory_space<any>>
    tpu.wait_dma2 semaphore(%dma_wait3A_689 : memref<!tpu.dma_semaphore, #tpu.memory_space<semaphore_mem>>) src(%dma_wait3A_696 : memref<16x3968xf32, #tpu.memory_space<any>>) dst(%dma_wait3A_693 : memref<16x3968xf32, #tpu.memory_space<vmem>>)
    %get3A_697 = arith.constant 15 : index
    %get3A_698 = arith.constant 0 : index
    %get3A_699 = arith.constant 0 : index
    %get3A_700 = vector.load %arg6[%get3A_697, %get3A_698, %get3A_699] : memref<16x16x6400xf32, #tpu.memory_space<vmem>>, vector<1x16x6400xf32>
    %get3A_701 = vector.shape_cast %get3A_700 : vector<1x16x6400xf32> to vector<16x6400xf32>
    %mul3A_702 = vector.broadcast %select_n3A_125 : vector<16x1xf32> to vector<16x6400xf32>
    %mul3A_703 = arith.mulf %get3A_701, %mul3A_702 : vector<16x6400xf32>
    %reduce_sum3A_704 = arith.constant dense<0.000000e+00> : vector<6400xf32>
    %reduce_sum3A_705 = vector.multi_reduction <add>, %mul3A_703, %reduce_sum3A_704 [0] : vector<16x6400xf32> to vector<6400xf32>
    %get3A_706 = arith.constant 0 : index
    %get3A_707 = memref.load %arg3[%get3A_706] : memref<1xf32, #tpu.memory_space<smem>>
    %add3A_708 = vector.broadcast %get3A_707 : f32 to vector<6400xf32>
    %add3A_709 = arith.addf %reduce_sum3A_705, %add3A_708 : vector<6400xf32>
    %swap3A_710 = arith.constant 96000 : index
    %swap3A_711 = vector.load %arg5[%swap3A_710] : memref<102400xf32, #tpu.memory_space<vmem>>, vector<6400xf32>
    tpu.vector_store %arg5[%swap3A_710], %add3A_709 {strides = array<i32>} : memref<102400xf32, #tpu.memory_space<vmem>>, vector<6400xf32>,
    %get3A_712 = arith.constant 0 : index
    %get3A_713 = arith.constant 0 : index
    %get3A_714 = vector.load %arg4[%get3A_712, %get3A_713] : memref<16x128xf32, #tpu.memory_space<vmem>>, vector<16x128xf32>
    %mul3A_715 = vector.broadcast %select_n3A_125 : vector<16x1xf32> to vector<16x128xf32>
    %mul3A_716 = arith.mulf %get3A_714, %mul3A_715 : vector<16x128xf32>
    %reduce_sum3A_717 = arith.constant dense<0.000000e+00> : vector<128xf32>
    %reduce_sum3A_718 = vector.multi_reduction <add>, %mul3A_716, %reduce_sum3A_717 [0] : vector<16x128xf32> to vector<128xf32>
    %get3A_719 = arith.constant 0 : index
    %get3A_720 = memref.load %arg3[%get3A_719] : memref<1xf32, #tpu.memory_space<smem>>
    %add3A_721 = vector.broadcast %get3A_720 : f32 to vector<128xf32>
    %add3A_722 = arith.addf %reduce_sum3A_718, %add3A_721 : vector<128xf32>
    %swap3A_723 = arith.constant 99968 : index
    %swap3A_724 = vector.load %arg5[%swap3A_723] : memref<102400xf32, #tpu.memory_space<vmem>>, vector<128xf32>
    tpu.vector_store %arg5[%swap3A_723], %add3A_722 {strides = array<i32>} : memref<102400xf32, #tpu.memory_space<vmem>>, vector<128xf32>,
    return
  }
  func.func @transform_1(%arg0: i32) -> (i32, i32) {
    %c0_i32 = arith.constant 0 : i32
    %c0_i32_0 = arith.constant 0 : i32
    %c0_i32_1 = arith.constant 0 : i32
    return %c0_i32, %c0_i32_0 : i32, i32
  }
  func.func @transform_2(%arg0: i32) -> i32 {
    %c0_i32 = arith.constant 0 : i32
    %c0_i32_0 = arith.constant 0 : i32
    return %c0_i32 : i32
  }
  func.func @transform_3(%arg0: i32) -> (i32, i32) {
    %c0_i32 = arith.constant 0 : i32
    %c781_i32 = arith.constant 781 : i32
    %c0_i32_0 = arith.constant 0 : i32
    return %c0_i32, %c781_i32 : i32, i32
  }
  func.func @transform_4(%arg0: i32) -> i32 {
    %c0_i32 = arith.constant 0 : i32
    %c0_i32_0 = arith.constant 0 : i32
    return %c0_i32 : i32
  }
}

module attributes {stable_mosaic.version = 14 : i64} {
  func.func @_tc_x_body(%arg0: memref<14x16384xf32, #tpu.memory_space<vmem>>, %arg1: memref<1x30xf32, #tpu.memory_space<smem>>, %arg2: memref<16384xf32, #tpu.memory_space<vmem>>) attributes {dimension_semantics = [], scalar_prefetch = 0 : i64, scratch_operands = 0 : i64, tpu.core_type = #tpu.core_type<tc>} {
    %iota3A = tpu.iota {dimensions = array<i32: 0>} : vector<14x1xi32>
    %broadcast_in_dim3A = arith.constant 0.000000e+00 : f32
    %broadcast_in_dim3A_0 = vector.broadcast %broadcast_in_dim3A : f32 to vector<14x1xf32>
    %eq3A = arith.constant 0 : i32
    %eq3A_1 = vector.broadcast %eq3A : i32 to vector<14x1xi32>
    %eq3A_2 = arith.cmpi eq, %iota3A, %eq3A_1 : vector<14x1xi32>
    %get3A = arith.constant 0 : index
    %get3A_3 = arith.constant 0 : index
    %get3A_4 = memref.load %arg1[%get3A, %get3A_3] : memref<1x30xf32, #tpu.memory_space<smem>>
    %broadcast_in_dim3A_5 = vector.broadcast %get3A_4 : f32 to vector<14x1xf32>
    %select_n3A = arith.select %eq3A_2, %broadcast_in_dim3A_5, %broadcast_in_dim3A_0 : vector<14x1xi1>, vector<14x1xf32>
    %eq3A_6 = arith.constant 1 : i32
    %eq3A_7 = vector.broadcast %eq3A_6 : i32 to vector<14x1xi32>
    %eq3A_8 = arith.cmpi eq, %iota3A, %eq3A_7 : vector<14x1xi32>
    %get3A_9 = arith.constant 0 : index
    %get3A_10 = arith.constant 1 : index
    %get3A_11 = memref.load %arg1[%get3A_9, %get3A_10] : memref<1x30xf32, #tpu.memory_space<smem>>
    %broadcast_in_dim3A_12 = vector.broadcast %get3A_11 : f32 to vector<14x1xf32>
    %select_n3A_13 = arith.select %eq3A_8, %broadcast_in_dim3A_12, %select_n3A : vector<14x1xi1>, vector<14x1xf32>
    %eq3A_14 = arith.constant 2 : i32
    %eq3A_15 = vector.broadcast %eq3A_14 : i32 to vector<14x1xi32>
    %eq3A_16 = arith.cmpi eq, %iota3A, %eq3A_15 : vector<14x1xi32>
    %get3A_17 = arith.constant 0 : index
    %get3A_18 = arith.constant 2 : index
    %get3A_19 = memref.load %arg1[%get3A_17, %get3A_18] : memref<1x30xf32, #tpu.memory_space<smem>>
    %broadcast_in_dim3A_20 = vector.broadcast %get3A_19 : f32 to vector<14x1xf32>
    %select_n3A_21 = arith.select %eq3A_16, %broadcast_in_dim3A_20, %select_n3A_13 : vector<14x1xi1>, vector<14x1xf32>
    %eq3A_22 = arith.constant 3 : i32
    %eq3A_23 = vector.broadcast %eq3A_22 : i32 to vector<14x1xi32>
    %eq3A_24 = arith.cmpi eq, %iota3A, %eq3A_23 : vector<14x1xi32>
    %get3A_25 = arith.constant 0 : index
    %get3A_26 = arith.constant 3 : index
    %get3A_27 = memref.load %arg1[%get3A_25, %get3A_26] : memref<1x30xf32, #tpu.memory_space<smem>>
    %broadcast_in_dim3A_28 = vector.broadcast %get3A_27 : f32 to vector<14x1xf32>
    %select_n3A_29 = arith.select %eq3A_24, %broadcast_in_dim3A_28, %select_n3A_21 : vector<14x1xi1>, vector<14x1xf32>
    %eq3A_30 = arith.constant 4 : i32
    %eq3A_31 = vector.broadcast %eq3A_30 : i32 to vector<14x1xi32>
    %eq3A_32 = arith.cmpi eq, %iota3A, %eq3A_31 : vector<14x1xi32>
    %get3A_33 = arith.constant 0 : index
    %get3A_34 = arith.constant 4 : index
    %get3A_35 = memref.load %arg1[%get3A_33, %get3A_34] : memref<1x30xf32, #tpu.memory_space<smem>>
    %broadcast_in_dim3A_36 = vector.broadcast %get3A_35 : f32 to vector<14x1xf32>
    %select_n3A_37 = arith.select %eq3A_32, %broadcast_in_dim3A_36, %select_n3A_29 : vector<14x1xi1>, vector<14x1xf32>
    %eq3A_38 = arith.constant 5 : i32
    %eq3A_39 = vector.broadcast %eq3A_38 : i32 to vector<14x1xi32>
    %eq3A_40 = arith.cmpi eq, %iota3A, %eq3A_39 : vector<14x1xi32>
    %get3A_41 = arith.constant 0 : index
    %get3A_42 = arith.constant 5 : index
    %get3A_43 = memref.load %arg1[%get3A_41, %get3A_42] : memref<1x30xf32, #tpu.memory_space<smem>>
    %broadcast_in_dim3A_44 = vector.broadcast %get3A_43 : f32 to vector<14x1xf32>
    %select_n3A_45 = arith.select %eq3A_40, %broadcast_in_dim3A_44, %select_n3A_37 : vector<14x1xi1>, vector<14x1xf32>
    %eq3A_46 = arith.constant 6 : i32
    %eq3A_47 = vector.broadcast %eq3A_46 : i32 to vector<14x1xi32>
    %eq3A_48 = arith.cmpi eq, %iota3A, %eq3A_47 : vector<14x1xi32>
    %get3A_49 = arith.constant 0 : index
    %get3A_50 = arith.constant 6 : index
    %get3A_51 = memref.load %arg1[%get3A_49, %get3A_50] : memref<1x30xf32, #tpu.memory_space<smem>>
    %broadcast_in_dim3A_52 = vector.broadcast %get3A_51 : f32 to vector<14x1xf32>
    %select_n3A_53 = arith.select %eq3A_48, %broadcast_in_dim3A_52, %select_n3A_45 : vector<14x1xi1>, vector<14x1xf32>
    %eq3A_54 = arith.constant 7 : i32
    %eq3A_55 = vector.broadcast %eq3A_54 : i32 to vector<14x1xi32>
    %eq3A_56 = arith.cmpi eq, %iota3A, %eq3A_55 : vector<14x1xi32>
    %get3A_57 = arith.constant 0 : index
    %get3A_58 = arith.constant 7 : index
    %get3A_59 = memref.load %arg1[%get3A_57, %get3A_58] : memref<1x30xf32, #tpu.memory_space<smem>>
    %broadcast_in_dim3A_60 = vector.broadcast %get3A_59 : f32 to vector<14x1xf32>
    %select_n3A_61 = arith.select %eq3A_56, %broadcast_in_dim3A_60, %select_n3A_53 : vector<14x1xi1>, vector<14x1xf32>
    %eq3A_62 = arith.constant 8 : i32
    %eq3A_63 = vector.broadcast %eq3A_62 : i32 to vector<14x1xi32>
    %eq3A_64 = arith.cmpi eq, %iota3A, %eq3A_63 : vector<14x1xi32>
    %get3A_65 = arith.constant 0 : index
    %get3A_66 = arith.constant 8 : index
    %get3A_67 = memref.load %arg1[%get3A_65, %get3A_66] : memref<1x30xf32, #tpu.memory_space<smem>>
    %broadcast_in_dim3A_68 = vector.broadcast %get3A_67 : f32 to vector<14x1xf32>
    %select_n3A_69 = arith.select %eq3A_64, %broadcast_in_dim3A_68, %select_n3A_61 : vector<14x1xi1>, vector<14x1xf32>
    %eq3A_70 = arith.constant 9 : i32
    %eq3A_71 = vector.broadcast %eq3A_70 : i32 to vector<14x1xi32>
    %eq3A_72 = arith.cmpi eq, %iota3A, %eq3A_71 : vector<14x1xi32>
    %get3A_73 = arith.constant 0 : index
    %get3A_74 = arith.constant 9 : index
    %get3A_75 = memref.load %arg1[%get3A_73, %get3A_74] : memref<1x30xf32, #tpu.memory_space<smem>>
    %broadcast_in_dim3A_76 = vector.broadcast %get3A_75 : f32 to vector<14x1xf32>
    %select_n3A_77 = arith.select %eq3A_72, %broadcast_in_dim3A_76, %select_n3A_69 : vector<14x1xi1>, vector<14x1xf32>
    %eq3A_78 = arith.constant 10 : i32
    %eq3A_79 = vector.broadcast %eq3A_78 : i32 to vector<14x1xi32>
    %eq3A_80 = arith.cmpi eq, %iota3A, %eq3A_79 : vector<14x1xi32>
    %get3A_81 = arith.constant 0 : index
    %get3A_82 = arith.constant 10 : index
    %get3A_83 = memref.load %arg1[%get3A_81, %get3A_82] : memref<1x30xf32, #tpu.memory_space<smem>>
    %broadcast_in_dim3A_84 = vector.broadcast %get3A_83 : f32 to vector<14x1xf32>
    %select_n3A_85 = arith.select %eq3A_80, %broadcast_in_dim3A_84, %select_n3A_77 : vector<14x1xi1>, vector<14x1xf32>
    %eq3A_86 = arith.constant 11 : i32
    %eq3A_87 = vector.broadcast %eq3A_86 : i32 to vector<14x1xi32>
    %eq3A_88 = arith.cmpi eq, %iota3A, %eq3A_87 : vector<14x1xi32>
    %get3A_89 = arith.constant 0 : index
    %get3A_90 = arith.constant 11 : index
    %get3A_91 = memref.load %arg1[%get3A_89, %get3A_90] : memref<1x30xf32, #tpu.memory_space<smem>>
    %broadcast_in_dim3A_92 = vector.broadcast %get3A_91 : f32 to vector<14x1xf32>
    %select_n3A_93 = arith.select %eq3A_88, %broadcast_in_dim3A_92, %select_n3A_85 : vector<14x1xi1>, vector<14x1xf32>
    %eq3A_94 = arith.constant 12 : i32
    %eq3A_95 = vector.broadcast %eq3A_94 : i32 to vector<14x1xi32>
    %eq3A_96 = arith.cmpi eq, %iota3A, %eq3A_95 : vector<14x1xi32>
    %get3A_97 = arith.constant 0 : index
    %get3A_98 = arith.constant 12 : index
    %get3A_99 = memref.load %arg1[%get3A_97, %get3A_98] : memref<1x30xf32, #tpu.memory_space<smem>>
    %broadcast_in_dim3A_100 = vector.broadcast %get3A_99 : f32 to vector<14x1xf32>
    %select_n3A_101 = arith.select %eq3A_96, %broadcast_in_dim3A_100, %select_n3A_93 : vector<14x1xi1>, vector<14x1xf32>
    %eq3A_102 = arith.constant 13 : i32
    %eq3A_103 = vector.broadcast %eq3A_102 : i32 to vector<14x1xi32>
    %eq3A_104 = arith.cmpi eq, %iota3A, %eq3A_103 : vector<14x1xi32>
    %get3A_105 = arith.constant 0 : index
    %get3A_106 = arith.constant 13 : index
    %get3A_107 = memref.load %arg1[%get3A_105, %get3A_106] : memref<1x30xf32, #tpu.memory_space<smem>>
    %broadcast_in_dim3A_108 = vector.broadcast %get3A_107 : f32 to vector<14x1xf32>
    %select_n3A_109 = arith.select %eq3A_104, %broadcast_in_dim3A_108, %select_n3A_101 : vector<14x1xi1>, vector<14x1xf32>
    %get3A_110 = arith.constant 0 : index
    %get3A_111 = arith.constant 0 : index
    %get3A_112 = vector.load %arg0[%get3A_110, %get3A_111] : memref<14x16384xf32, #tpu.memory_space<vmem>>, vector<14x16384xf32>
    %mul3A = vector.broadcast %select_n3A_109 : vector<14x1xf32> to vector<14x16384xf32>
    %mul3A_113 = arith.mulf %get3A_112, %mul3A : vector<14x16384xf32>
    %reduce_sum3A = arith.constant dense<0.000000e+00> : vector<16384xf32>
    %reduce_sum3A_114 = vector.multi_reduction <add>, %mul3A_113, %reduce_sum3A [0] : vector<14x16384xf32> to vector<16384xf32>
    %swap3A = arith.constant 0 : index
    %swap3A_115 = vector.load %arg2[%swap3A] : memref<16384xf32, #tpu.memory_space<vmem>>, vector<16384xf32>
    tpu.vector_store %arg2[%swap3A], %reduce_sum3A_114 {strides = array<i32>} : memref<16384xf32, #tpu.memory_space<vmem>>, vector<16384xf32>,
    return
  }
}

module attributes {stable_mosaic.version = 14 : i64} {
  func.func @_tc_add_body(%arg0: memref<16384xf32, #tpu.memory_space<vmem>>, %arg1: memref<16384xf32, #tpu.memory_space<vmem>>, %arg2: memref<16384xf32, #tpu.memory_space<vmem>>) attributes {dimension_semantics = [], scalar_prefetch = 0 : i64, scratch_operands = 0 : i64, tpu.core_type = #tpu.core_type<tc>} {
    %get3A = arith.constant 0 : index
    %get3A_0 = vector.load %arg0[%get3A] : memref<16384xf32, #tpu.memory_space<vmem>>, vector<16384xf32>
    %get3A_1 = arith.constant 0 : index
    %get3A_2 = vector.load %arg1[%get3A_1] : memref<16384xf32, #tpu.memory_space<vmem>>, vector<16384xf32>
    %add3A = arith.addf %get3A_0, %get3A_2 : vector<16384xf32>
    %swap3A = arith.constant 0 : index
    %swap3A_3 = vector.load %arg2[%swap3A] : memref<16384xf32, #tpu.memory_space<vmem>>, vector<16384xf32>
    tpu.vector_store %arg2[%swap3A], %add3A {strides = array<i32>} : memref<16384xf32, #tpu.memory_space<vmem>>, vector<16384xf32>,
    return
  }
}

</mosaic_0001>

<sc_bundles>
// kernel: kernel.6.cloned.1.call-start
scs
__scs_entry_jumppad:
0x0: {  	(pc) =	sbr.rel $0x88, $3  }
0x1: {  	(tag) =	ssettag $0x0;
	lr =	simm.s32 $0x1  }
0x2: {  	[smem:$0x3F9C] =	sst lr;
	_ =	strace $0xD0000000  }
0x3: {  	_ = 	snop  }
0x4: {  	_ = 	snop  }
0x5: {  	_ = 	snop  }
0x6: {  	_ = 	snop  }
0x7: {  	_ = 	snop  }
__scs_overlays_trampoline_lowered:
0x8: {  	[smem:$0x3FAB] =	sst s0  }
0x9: {  	[smem:$0x3FAC] =	sst s1  }
0xa: {  	[smem:$0x3FAD] =	sst s2  }
0xb: {  	[smem:$0x3FAE] =	sst s3  }
0xc: {  	[smem:$0x3FAF] =	sst s4  }
0xd: {  	[smem:$0x3FB0] =	sst s5  }
0xe: {  	[smem:$0x3FB1] =	sst s6  }
0xf: {  	[smem:$0x3FB2] =	sst s7  }
0x10: {  	[smem:$0x3FB3] =	sst s8  }
0x11: {  	[smem:$0x3FB4] =	sst s9;
	s0 =	simm.s32 @!p0 $0x0  }
0x12: {  	s1 =	sld [smem:$0x3F9A];
	s0 =	simm.s32 @p0 $0x1  }
0x13: {  	[smem:$0x3FB5] =	sst s0;
	s0 =	simm.s32 @!p1 $0x0  }
0x14: {  	s2 =	sld [smem:$0x3F99];
	s0 =	simm.s32 @p1 $0x1  }
0x15: {  	[smem:$0x3FB6] =	sst s0;
	s0 =	simm.s32 @!p2 $0x0  }
0x16: {  	s3 =	sld [smem:$0x3FDB];
	s0 =	simm.s32 @p2 $0x1  }
0x17: {  	s4 =	simm.s32 $0x1BF5;
	[smem:$0x3FB8] =	sst s0  }
0x18: {  	s0 =	sld [smem:$0x3F9B];
	_ =	swait.ge [sflag:s4], $0x0  }
0x19: {  	s7 =	sld [smem:$0x3F9C]  }
0x1a: {  	s8 =	sadd.s32 $0xFFFFE003, lr  }
0x1b: {  	s9 =	sadd.s32 $0xFFFFFEF7, lr;
	s5 =	simm.s32 $0xFFFFFFFF;
	p2 =	slt.u32 s8, $0xFFFFF086  }
0x1c: {  	p1 =	slt.u32 s9, $0xF7A;
	s5 =	simm.s32 @!p2 $0x0  }
0x1d: {  	s5 =	simm.s32 @p1 $0x1;
	p0 =	seq.s32 s7, s2  }
0x1e: {  	s7 =	smul.u32 @!p0 $0xF7A, s2;
	p2 =	seq.s32 @!p0 s5, $0x0  }
0x1f: {  	s9 =	smul.u32 $0xF7A, s1;
	s8 =	simm.s32 @!p0 $0x1BF5;
	p2 =	por !p2, p0  }
0x20: {  	[sflag:s8] =	ssyncset.s32 @!p0 $0xFFFFF086;
	s6 =	sadd.s32 @!p0 s3, s7;
	s7 =	simm.s32 @!p0 $0x108  }
0x21: {  	s3 =	sadd.s32 s3, s9;
	s6 =	sadd.s32 @!p0 $0x88, s6;
	s7 =	simm.s32 @p2 $0x1082  }
0x22: {  	[simem:s7], [sflag:s8] =	dma.local @!p0 [hbm:s6], $0xF7A  }
0x23: {  	s9 =	sor.u32 $0xD0000000, s2;
	s6 =	simm.s32 $0x108;
	_ =	swait.ge @!p0 [sflag:s8], $0x0  }
0x24: {  	s3 =	sadd.s32 $0x88, s3;
	s6 =	simm.s32 @!p1 $0x1082;
	[sflag:s4] =	ssyncset.s32 $0xFFFFF086  }
0x25: {  	[simem:s6], [sflag:s4] =	dma.local [hbm:s3], $0xF7A  }
0x26: {  	[smem:$0x3F9C] =	sst s1;
	(tag) =	ssettag s2;
	_ =	strace s9  }
0x27: {  	s1 =	sld [smem:$0x3FAC]  }
0x28: {  	s2 =	sld [smem:$0x3FAD]  }
0x29: {  	s4 =	sld [smem:$0x3FAF]  }
0x2a: {  	p0 =	seq.s32 s5, $0x0;
	s5 =	sld [smem:$0x3FB0]  }
0x2b: {  	s6 =	sld [smem:$0x3FB1]  }
0x2c: {  	s7 =	sld [smem:$0x3FB2]  }
0x2d: {  	s3 =	simm.s32 $0x108;
	s8 =	sld [smem:$0x3FB3]  }
0x2e: {  	s3 =	simm.s32 @!p0 $0x1082;
	s9 =	sld [smem:$0x3FB4]  }
0x2f: {  	lr =	sadd.s32 s0, s3;
	s0 =	sld [smem:$0x3FAB]  }
0x30: {  	s3 =	sld [smem:$0x3FAE]  }
0x31: {  	[smem:$0x3FB7] =	sst s10  }
0x32: {  	s10 =	sld [smem:$0x3FB5];
	_ =	sdelay $0x3  }
0x33: {  	p0 =	seq.s32 s10, $0x1;
	s10 =	sld [smem:$0x3FB7];
	_ =	sdelay $0x3  }
0x34: {  	[smem:$0x3FB7] =	sst s10  }
0x35: {  	s10 =	sld [smem:$0x3FB6];
	_ =	sdelay $0x3  }
0x36: {  	p1 =	seq.s32 s10, $0x1;
	s10 =	sld [smem:$0x3FB7];
	_ =	sdelay $0x3  }
0x37: {  	[smem:$0x3FB7] =	sst s10  }
0x38: {  	s10 =	sld [smem:$0x3FB8]  }
0x39: {  	_ = 	snop;
	(pc) =	sbr.ind lr, $3  }
0x3a: {  	_ = 	snop  }
0x3b: {  	_ = 	snop  }
0x3c: {  	p2 =	seq.s32 s10, $0x1;
	s10 =	sld [smem:$0x3FB7]  }
0x3d: {  	_ =	shalt  }
0x3e: {  	_ =	shalt  }
0x3f: {  	_ =	shalt  }
0x40: {  	_ =	shalt  }
0x41: {  	_ =	shalt  }
0x42: {  	_ =	shalt  }
0x43: {  	_ =	shalt  }
0x44: {  	_ =	shalt  }
0x45: {  	_ =	shalt  }
0x46: {  	_ =	shalt  }
0x47: {  	_ =	shalt  }
0x48: {  	_ =	shalt  }
0x49: {  	_ =	shalt  }
0x4a: {  	_ =	shalt  }
0x4b: {  	_ =	shalt  }
0x4c: {  	_ =	shalt  }
0x4d: {  	_ =	shalt  }
0x4e: {  	_ =	shalt  }
0x4f: {  	_ =	shalt  }
0x50: {  	_ =	shalt  }
0x51: {  	_ =	shalt  }
0x52: {  	_ =	shalt  }
0x53: {  	_ =	shalt  }
0x54: {  	_ =	shalt  }
0x55: {  	_ =	shalt  }
0x56: {  	_ =	shalt  }
0x57: {  	_ =	shalt  }
0x58: {  	_ =	shalt  }
0x59: {  	_ =	shalt  }
0x5a: {  	_ =	shalt  }
0x5b: {  	_ =	shalt  }
0x5c: {  	_ =	shalt  }
0x5d: {  	_ =	shalt  }
0x5e: {  	_ =	shalt  }
0x5f: {  	_ =	shalt  }
0x60: {  	_ =	shalt  }
0x61: {  	_ =	shalt  }
0x62: {  	_ =	shalt  }
0x63: {  	_ =	shalt  }
0x64: {  	_ =	shalt  }
0x65: {  	_ =	shalt  }
0x66: {  	_ =	shalt  }
0x67: {  	_ =	shalt  }
0x68: {  	_ =	shalt  }
0x69: {  	_ =	shalt  }
0x6a: {  	_ =	shalt  }
0x6b: {  	_ =	shalt  }
0x6c: {  	_ =	shalt  }
0x6d: {  	_ =	shalt  }
0x6e: {  	_ =	shalt  }
0x6f: {  	_ =	shalt  }
0x70: {  	_ =	shalt  }
0x71: {  	_ =	shalt  }
0x72: {  	_ =	shalt  }
0x73: {  	_ =	shalt  }
0x74: {  	_ =	shalt  }
0x75: {  	_ =	shalt  }
0x76: {  	_ =	shalt  }
0x77: {  	_ =	shalt  }
0x78: {  	_ =	shalt  }
0x79: {  	_ =	shalt  }
0x7a: {  	_ =	shalt  }
0x7b: {  	_ =	shalt  }
0x7c: {  	_ =	shalt  }
0x7d: {  	_ =	shalt  }
0x7e: {  	_ =	shalt  }
0x7f: {  	_ =	shalt  }
0x80: {  	_ =	shalt  }
0x81: {  	_ =	shalt  }
0x82: {  	_ =	shalt  }
0x83: {  	_ =	shalt  }
0x84: {  	_ =	shalt  }
0x85: {  	_ =	shalt  }
0x86: {  	_ =	shalt  }
0x87: {  	_ =	shalt  }
.Lfunc_end0:
.L_simem_size_0:
called_computation_lowered:
.L_overlay_start_0:
0x88: {  	s2 =	sld [smem:$0x3FD9]  }
0x89: {  	s3 =	sld [smem:$0x3FFE];
	_ =	sdelay $0x1  }
0x8a: {  	s1 =	srdreg.scid  }
0x8b: {  	s0 =	sand.u32 $0x1, s1  }
0x8c: {  	s17 =	sshll.u32 s0, $0xA;
	s2 =	sadd.s32 s3, s2  }
0x8d: {  	s2 =	sadd.s32 s2, s17  }
0x8e: {  	[smem:$0x3FC3] =	sst s2  }
0x8f: {  	_ = 	snop  }
0x90: {  	s2 =	sld [smem:$0x3FC8]  }
0x91: {  	s18 =	sld [smem:$0x3FD0];
	(tm) =	ssettm $0x1  }
0x92: {  	s4 =	sld [smem:$0x3FFB];
	_ =	sdelay $0x3  }
0x93: {  	_ =	strace s4  }
0x94: {  	s4 =	sld [smem:$0x3FFC];
	_ =	sdelay $0x3  }
0x95: {  	_ =	strace s4  }
0x96: {  	s4 =	sld [smem:$0x3FFD];
	_ =	sdelay $0x3  }
0x97: {  	_ =	strace s4  }
0x98: {  	_ =	strace $0x8FFFFFFF  }
0x99: {  	s19 =	sld [smem:$0x3FDB];
	_ =	sdelay $0x1  }
0x9a: {  	s5 =	simm.s32 $_scs_section_size  }
0x9b: {  	s6 =	simm.s32 $_size__tile_overlayer_lowered;
	s7 =	simm.s32 $_tile_overlayer_lowered  }
0x9c: {  	s22 =	simm.s32 $0x1BFF;
	s21 =	sshll.u32 s7, $0x1;
	s4 =	sadd.s32 s5, s19  }
0x9d: {  	s8 =	simm.s32 $0x0;
	s20 =	sshll.u32 s6, $0x1;
	s6 =	sadd.s32 s21, s4  }
0x9e: {  	[timem:s8], [sflag:s22] =	dma.local [hbm:s6], s20  }
0x9f: {  	_ =	swait.ge [sflag:s22], s20  }
0xa0: {  	s5 =	ssub.s32 $0x0, s20;
	[sflag:s22] =	ssyncset.done $0x0  }
0xa1: {  	[sflag:s22] =	ssyncadd.s32 s5;
	_ =	sdelay $0x1  }
0xa2: {  	s23 =	simm.s32 $0x1B8B  }
0xa3: {  	_ =	swait.ge [sflag:s23], $0x1  }
0xa4: {  	[sflag:s23] =	ssyncset.done $0x0  }
0xa5: {  	s25 =	simm.s32 $0x1B8E;
	s24 =	sld [smem:$0x3FFE];
	[sflag:s23] =	ssyncadd.s32 $0xFFFFFFFF  }
0xa6: {  	s26 =	simm.s32 $execute0_lowered;
	[smem:$0x3FD2] =	sst s25  }
0xa7: {  	s6 =	sshll.u32 s26, $0x1;
	_ =	strace $0x80000046;
	[dreg:$0x1] =	wrdreg $0xFFFFFFFF  }
0xa8: {  	s28 =	simm.s32 $_size_execute0_lowered;
	s4 =	sadd.s32 s4, s6;
	[dreg:$0x0] =	wrdreg $0x0  }
0xa9: {  	s6 =	sshll.u32 s28, $0x1;
	[dreg:$0x2] =	wrdreg s4  }
0xaa: {  	[dreg:$0x3] =	wrdreg s6  }
0xab: {  	[dreg:$0x4] =	wrdreg $0xC0  }
0xac: {  	_ =	task [dreg:s8], $0x5FFFF  }
0xad: {  	[dreg:$0x1] =	wrdreg $0xFFFFFFFF  }
0xae: {  	[dreg:$0x0] =	wrdreg $0x60  }
0xaf: {  	[dreg:$0x2] =	wrdreg s24  }
0xb0: {  	[dreg:$0x3] =	wrdreg s2  }
0xb1: {  	[dreg:$0x4] =	wrdreg s18  }
0xb2: {  	[dreg:$0x5] =	wrdreg $0x9  }
0xb3: {  	_ =	task.clear_ibuf [dreg:s8], $0x6FFFF;
	_ =	strace $0x90000046  }
0xb4: {  	s29 =	simm.s32 $0x9;
	_ =	strace $0x80000048  }
0xb5: {  	_ =	swait.ge [sflag:s29], $0x1  }
0xb6: {  	[sflag:s29] =	ssyncadd.s32 $0xFFFFFFFF  }
0xb7: {  	_ =	strace $0x90000048  }
0xb8: {  	_ =	sfence  }
0xb9: {  	s30 =	sld [smem:$0x0];
	_ =	sdelay $0x2  }
0xba: {  	s31 =	sshll.u32 s1, $0xD;
	s1 =	sshrl.u32 s1, $0x2  }
0xbb: {  	s3 =	sand.u32 $0x4000, s31;
	s1 =	sadd.s32 s1, s30  }
0xbc: {  	s0 =	sor.u32 s3, s0;
	s1 =	sshll.u32 s1, $0x11  }
0xbd: {  	s0 =	sor.u32 s1, s0  }
0xbe: {  	s0 =	sadd.s32 $0x8F2B, s0  }
0xbf: {  	[sflag:s0] =	ssyncadd.remote.s32 $0x1  }
0xc0: {  	_ =	sfence.sel $0xFFFF  }
0xc1: {  	[dreg:$0x0] =	wrdreg $0xFFFFFFFF;
	(pc) =	sbr.abs _section_cstart, $3  }
0xc2: {  	[dreg:$0x1] =	wrdreg $0xFFFFFFFF  }
0xc3: {  	_ =	task.clear_ibuf [dreg:s8], $0x2FFFF;
	_ =	strace $0x9FFFFFFF  }
0xc4: {  	(tm) =	ssettm $0x7FFFFFFF  }
0xc5: {  	_ =	shalt  }
tec
execute0_lowered:
.L_overlay_start_1:
0x0: {  	(tag) =	ssettag $0x1  }
0x1: {  	s5 =	rddreg [dreg:$0x0]  }
0x2: {  	s3 =	rddreg [dreg:$0x1]  }
0x3: {  	s17 =	rddreg [dreg:$0x2];
	s2 =	srdreg.scid  }
0x4: {  	s0 =	rddreg [dreg:$0x3];
	s1 =	stileid.u32;
	s16 =	sand.u32 $0x1, s2  }
0x5: {  	s2 =	simm.s32 $0x0;
	s4 =	sshll.u32 s1, $0x7;
	s6 =	sshll.u32 s16, $0x6  }
0x6: {  	[smem:$0x7FF] =	sst s2;
	s18 =	sor.u32 s6, s4  }
0x7: {  	_ =	strace $0x80000047;
	s4 =	sadd.s32 s3, s18;
	s3 =	simm.s32 $0x5  }
0x8: {  	[tilespmem:s2], [sflag:$0x5] =	stream.linear.gather [hbm4b:s4+s2], $0x200, $0x38;
	[tilespmem:$0x400] =	vst v63  }
0x9: {  	_ =	swait.ge [sflag:s3], $0x200  }
0xa: {  	s7 =	simm.s32 $0x200;
	[sflag:s3] =	ssyncset.done $0x0  }
0xb: {  	s5 =	sadd.s32 $0xE00, s5;
	s6 =	simm.s32 $0x80;
	[sflag:s3] =	ssyncadd.s32 $0xFFFFFE00  }
0xc: {  	[tilespmem:s7], [sflag:$0x1] =	stream.indirect.gather [hbm4b:s5+s6], $0x1, s2, s6, $0xb8;
	[tilespmem:$0x400] =	vst v63  }
0xd: {  	s8 =	simm.s32 $0x280  }
0xe: {  	[tilespmem:s8], [sflag:$0x2] =	stream.indirect.gather [hbm4b:s5+s6], $0x1, s6, s6, $0xb8;
	[tilespmem:$0x400] =	vst v63  }
0xf: {  	s9 =	simm.s32 $0x100;
	s10 =	simm.s32 $0x300  }
0x10: {  	[tilespmem:s10], [sflag:$0x3] =	stream.indirect.gather [hbm4b:s5+s6], $0x1, s9, s6, $0xb8;
	[tilespmem:$0x400] =	vst v63  }
0x11: {  	s11 =	simm.s32 $0x180;
	s12 =	simm.s32 $0x380;
	s13 =	simm.s32 $0x1  }
0x12: {  	[tilespmem:s12], [sflag:$0x4] =	stream.indirect.gather [hbm4b:s5+s6], $0x1, s11, s6, $0xb8;
	[tilespmem:$0x400] =	vst v63  }
0x13: {  	_ =	swait.ge [sflag:s13], $0x80  }
0x14: {  	[sflag:s13] =	ssyncset.done $0x0  }
0x15: {  	s14 =	simm.s32 $0x2;
	[sflag:s13] =	ssyncadd.s32 $0xFFFFFF80  }
0x16: {  	_ =	swait.ge [sflag:s14], $0x80  }
0x17: {  	[sflag:s14] =	ssyncset.done $0x0  }
0x18: {  	s15 =	simm.s32 $0x3;
	s19 =	ssub.s32 $0x2, s16;
	[sflag:s14] =	ssyncadd.s32 $0xFFFFFF80  }
0x19: {  	s20 =	sshrl.u32 s19, $0x1;
	_ =	swait.ge [sflag:s15], $0x80  }
0x1a: {  	s19 =	ssub.s32 s19, s20;
	[sflag:s15] =	ssyncset.done $0x0  }
0x1b: {  	s16 =	simm.s32 $0x4;
	s31 =	smax.u32 s19, $0x1;
	[sflag:s15] =	ssyncadd.s32 $0xFFFFFF80  }
0x1c: {  	p0 =	sne.s32 s31, $0x1;
	_ =	swait.ge [sflag:s16], $0x80  }
.Ltmp0:
0x1d: {  	[sflag:s16] =	ssyncset.done $0x0;
	(pc) =	sbr.rel @!p0 .LBB2_2-.Ltmp0, $4  }
0x1e: {  	s17 =	sadd.s32 s17, s18;
	[sflag:s16] =	ssyncadd.s32 $0xFFFFFF80  }
0x1f: {  	[hbm4b:s17+s2] =	stream.linear.scatter [tilespmem:s7], [sflag:$0x5], $0x200, $0x38;
	[tilespmem:$0x400] =	vst v63  }
0x20: {  	_ =	swait.ge [sflag:s3], $0x200  }
0x21: {  	s18 =	sadd.s32 $0xFFFFFFFF, s31;
	[sflag:s3] =	ssyncset.done $0x0  }
.LBB2_1:
0x22: {  	p0 =	sne.s32 s18, $0x1;
	s18 =	sadd.s32 $0xFFFFFFFF, s18;
	[sflag:s3] =	ssyncadd.s32 $0xFFFFFE00  }
0x23: {  	[tilespmem:s2], [sflag:$0x5] =	stream.linear.gather [hbm4b:s4+s2], $0x200, $0x38;
	[tilespmem:$0x400] =	vst v63  }
0x24: {  	_ =	swait.ge [sflag:s3], $0x200  }
0x25: {  	[sflag:s3] =	ssyncset.done $0x0  }
0x26: {  	[sflag:s3] =	ssyncadd.s32 $0xFFFFFE00  }
0x27: {  	[tilespmem:s7], [sflag:$0x1] =	stream.indirect.gather [hbm4b:s5+s6], $0x1, s2, s6, $0xb8;
	[tilespmem:$0x400] =	vst v63  }
0x28: {  	_ = 	snop  }
0x29: {  	[tilespmem:s8], [sflag:$0x2] =	stream.indirect.gather [hbm4b:s5+s6], $0x1, s6, s6, $0xb8;
	[tilespmem:$0x400] =	vst v63  }
0x2a: {  	_ = 	snop  }
0x2b: {  	[tilespmem:s10], [sflag:$0x3] =	stream.indirect.gather [hbm4b:s5+s6], $0x1, s9, s6, $0xb8;
	[tilespmem:$0x400] =	vst v63  }
0x2c: {  	_ = 	snop  }
0x2d: {  	[tilespmem:s12], [sflag:$0x4] =	stream.indirect.gather [hbm4b:s5+s6], $0x1, s11, s6, $0xb8;
	[tilespmem:$0x400] =	vst v63  }
0x2e: {  	_ =	swait.ge [sflag:s13], $0x80  }
0x2f: {  	[sflag:s13] =	ssyncset.done $0x0  }
0x30: {  	[sflag:s13] =	ssyncadd.s32 $0xFFFFFF80  }
0x31: {  	_ =	swait.ge [sflag:s14], $0x80  }
0x32: {  	[sflag:s14] =	ssyncset.done $0x0  }
0x33: {  	[sflag:s14] =	ssyncadd.s32 $0xFFFFFF80  }
0x34: {  	_ =	swait.ge [sflag:s15], $0x80  }
0x35: {  	[sflag:s15] =	ssyncset.done $0x0  }
0x36: {  	[sflag:s15] =	ssyncadd.s32 $0xFFFFFF80  }
0x37: {  	_ =	swait.ge [sflag:s16], $0x80  }
.Ltmp1:
0x38: {  	[sflag:s16] =	ssyncset.done $0x0;
	(pc) =	sbr.rel @p0 .LBB2_1-.Ltmp1, $4  }
0x39: {  	[sflag:s16] =	ssyncadd.s32 $0xFFFFFF80  }
0x3a: {  	[hbm4b:s17+s2] =	stream.linear.scatter [tilespmem:s7], [sflag:$0x5], $0x200, $0x38;
	[tilespmem:$0x400] =	vst v63  }
0x3b: {  	_ =	swait.ge [sflag:s3], $0x200  }
0x3c: {  	[sflag:s3] =	ssyncset.done $0x0  }
.LBB2_2:
0x3d: {  	[sflag:s3] =	ssyncadd.s32 $0xFFFFFE00  }
0x3e: {  	_ =	sfence.sel $0x180000  }
0x3f: {  	[bflag:$0x0] =	sbarrier.arrive $0xFFFF  }
0x40: {  	p0 =	sne.s32 s1, $0x0;
	_ =	strace $0x90000047  }
0x41: {  	s0 =	sadd.s32 @!p0 $0x100000, s0;
	[bflag:$0x2] =	sbarrier.arrive $0xFFFF  }
0x42: {  	[sflag:s0] =	ssyncadd.tile.s32 @!p0 $0x1;
	_ =	shalt  }
.Lfunc_end2:
_tile_overlayer_lowered:
.L_overlay_start_2:
0x43: {  	(tag) =	ssettag $0x2  }
0x44: {  	s0 =	rddreg [dreg:$0x0];
	s2 =	stileid.u32  }
0x45: {  	s1 =	rddreg [dreg:$0x1];
	p0 =	sne.s32 s2, $0x0  }
0x46: {  	s3 =	rddreg [dreg:$0x2];
	[bflag:$0x3] =	sbarrier.arrive $0xFFFF;
	s2 =	simm.s32 @!p0 $0x1C05  }
0x47: {  	[timem:s3], [sflag:s2] =	dma.local @!p0 [hbm:s0], s1  }
0x48: {  	s0 =	simm.s32 @!p0 $0x5  }
0x49: {  	_ =	swait.ge @!p0 [sflag:s0], s1  }
0x4a: {  	s1 =	ssub.s32 @!p0 $0x0, s1;
	[sflag:s0] =	ssyncset.done @!p0 $0x0  }
0x4b: {  	[sflag:s0] =	ssyncadd.s32 @!p0 s1  }
0x4c: {  	[bflag:$0x3] =	sbarrier.arrive $0xFFFF  }
0x4d: {  	_ =	shalt  }

</sc_bundles>
